<compile_context>
chip_gen: v7x
topology: tpu7x:2x2x1
jax: 0.10.2.dev20260603
libtpu: 0.0.44.dev20260713+nightly
codegen_flags: <defaults>
</compile_context>

<pallas_src>
import functools

import jax
import jax.numpy as jnp
from jax import lax
from jax.experimental import pallas as pl
from jax.experimental.pallas import tpu as pltpu
from jax.experimental.pallas import tpu_sc as plsc

_V = 100000
_HV = 50176
_BATCH = 16384
_D = 64
_DF = 2 * _D
_NC = 2
_NS = 16
_NW = _NC * _NS
_BPW = _BATCH // _NW
_CHUNK = 128
_NCHUNK = _BPW // _CHUNK
_PBLK = 7168


def _tc_fuse(ta_t, tb_t):
    grid = (_HV // _PBLK,)
    hi_off = _HV // _PBLK

    def body(alo_r, ahi_r, blo_r, bhi_r, out_r):
        def bf16_bits(x):
            r = x.astype(jnp.bfloat16).astype(jnp.float32)
            return lax.bitcast_convert_type(r, jnp.uint32)

        def pack(a_r, b_r):
            ta = bf16_bits(jnp.swapaxes(a_r[...], 0, 1))
            tb = bf16_bits(jnp.swapaxes(b_r[...], 0, 1))
            word = (ta >> 16) | (tb & jnp.uint32(0xFFFF0000))
            return lax.bitcast_convert_type(word, jnp.float32)
        out_r[...] = jnp.concatenate(
            [pack(alo_r, blo_r), pack(ahi_r, bhi_r)], axis=1)

    lo_spec = pl.BlockSpec((_D, _PBLK), lambda i: (0, i))
    hi_spec = pl.BlockSpec((_D, _PBLK), lambda i: (0, i + hi_off))
    return pl.pallas_call(
        body,
        grid=grid,
        in_specs=[lo_spec, hi_spec, lo_spec, hi_spec],
        out_specs=pl.BlockSpec((_PBLK, _DF), lambda i: (i, 0)),
        out_shape=jax.ShapeDtypeStruct((_HV, _DF), jnp.float32),
    )(ta_t, ta_t, tb_t, tb_t)


def _sc_gather(idx, tab):
    mesh = plsc.VectorSubcoreMesh(core_axis_name="c", subcore_axis_name="s")

    @functools.partial(
        pl.kernel,
        mesh=mesh,
        out_type=jax.ShapeDtypeStruct((_BATCH, _DF), jnp.float32),
        scratch_types=[
            pltpu.VMEM((_BPW,), jnp.int32),
            pltpu.VMEM((_CHUNK, _DF), jnp.float32),
            pltpu.VMEM((_CHUNK, _DF), jnp.float32),
            pltpu.SemaphoreType.DMA,
            pltpu.SemaphoreType.DMA,
            pltpu.SemaphoreType.DMA,
            pltpu.SemaphoreType.DMA,
        ],
    )
    def k(i_hbm, t_hbm, x_o, iv, b0, b1, gsem0, gsem1, wsem0, wsem1):
        wid = lax.axis_index("s") * _NC + lax.axis_index("c")
        base = wid * _BPW
        pltpu.sync_copy(i_hbm.at[pl.ds(base, _BPW)], iv)
        bufs = ((b0, gsem0, wsem0), (b1, gsem1, wsem1))
        gathers = [None] * _NCHUNK
        writes = [None] * _NCHUNK
        for j in range(_NCHUNK):
            buf, gsem, _ = bufs[j % 2]
            if j >= 2:
                writes[j - 2].wait()
            ci = iv.at[pl.ds(j * _CHUNK, _CHUNK)]
            gathers[j] = pltpu.async_copy(t_hbm.at[ci], buf, gsem)
            if j >= 1:
                pbuf, _, pwsem = bufs[(j - 1) % 2]
                gathers[j - 1].wait()
                off = base + (j - 1) * _CHUNK
                writes[j - 1] = pltpu.async_copy(
                    pbuf, x_o.at[pl.ds(off, _CHUNK)], pwsem)
        j = _NCHUNK - 1
        gathers[j].wait()
        buf, _, wsem = bufs[j % 2]
        writes[j] = pltpu.async_copy(
            buf, x_o.at[pl.ds(base + j * _CHUNK, _CHUNK)], wsem)
        writes[_NCHUNK - 2].wait()
        writes[_NCHUNK - 1].wait()

    return k(idx, tab)


def _tc_dense(xu, xi, mboth, w1a, w1b, b1, w2, b2, wog_row, woh_row, bo):
    blk = 4096
    grid = (_BATCH // blk,)
    rows = blk // 128

    def unpack(c_r, m):
        c = c_r[...]
        half = jnp.where(m, c[:, _D:], c[:, :_D])
        bits = lax.bitcast_convert_type(half, jnp.uint32)
        a = lax.bitcast_convert_type(bits << 16, jnp.float32)
        b = lax.bitcast_convert_type(bits & jnp.uint32(0xFFFF0000),
                                     jnp.float32)
        return a, b

    def body(xu_r, xi_r, m_r, w1a_r, w1b_r, b1_r, w2_r, b2_r,
             wog_r, woh_r, bo_r, out_r):
        m = m_r[...]
        ug, um = unpack(xu_r, (m == 1.0) | (m == 3.0))
        ig, im = unpack(xi_r, m >= 2.0)
        g3 = jnp.reshape(ug * ig, (rows, 128, _D))
        z = jnp.sum(g3 * jnp.reshape(wog_r[...], (1, 1, _D)), axis=-1)
        h1 = jnp.dot(um, w1a_r[...], preferred_element_type=jnp.float32)
        h1 = h1 + jnp.dot(im, w1b_r[...], preferred_element_type=jnp.float32)
        h1 = jnp.maximum(h1 + b1_r[...], 0.0)
        h2 = jnp.dot(h1, w2_r[...], preferred_element_type=jnp.float32)
        h2 = jnp.maximum(h2 + b2_r[...], 0.0)
        h3 = jnp.reshape(h2, (rows, 128, _D))
        z = z + jnp.sum(h3 * jnp.reshape(woh_r[...], (1, 1, _D)), axis=-1)
        z = z + bo_r[...]
        out_r[...] = 1.0 / (1.0 + jnp.exp(-z))

    data_spec = pl.BlockSpec((blk, _DF), lambda i: (i, 0))
    mask_spec = pl.BlockSpec((blk, 1), lambda i: (i, 0))

    def full(shape):
        return pl.BlockSpec(shape, lambda i: tuple(0 for _ in shape))

    return pl.pallas_call(
        body,
        grid=grid,
        in_specs=[
            data_spec, data_spec, mask_spec,
            full((_D, 128)), full((_D, 128)), full((1, 128)),
            full((128, _D)), full((1, _D)),
            full((1, _D)), full((1, _D)), full((1, 1)),
        ],
        out_specs=pl.BlockSpec((rows, 128), lambda i: (i, 0)),
        out_shape=jax.ShapeDtypeStruct((_BATCH // 128, 128), jnp.float32),
    )(xu, xi, mboth, w1a, w1b, b1, w2, b2, wog_row, woh_row, bo)


def kernel(user_indices, item_indices, Eug, Eig, Eum, Eim, W1, b1, W2, b2,
           Wo, bo):
    uidx = user_indices.astype(jnp.int32)
    iidx = item_indices.astype(jnp.int32)
    uhi = uidx >= _HV
    ihi = iidx >= _HV
    uidx_f = jnp.where(uhi, uidx - _HV, uidx)
    iidx_f = jnp.where(ihi, iidx - _HV, iidx)
    mboth = (uhi.astype(jnp.int32)
             + 2 * ihi.astype(jnp.int32)).astype(jnp.bfloat16).reshape(
                 _BATCH, 1)
    tab_u = _tc_fuse(Eug.T, Eum.T)
    tab_i = _tc_fuse(Eig.T, Eim.T)
    xu = _sc_gather(uidx_f, tab_u)
    xi = _sc_gather(iidx_f, tab_i)
    wog_row = Wo[:_D].reshape(1, _D)
    woh_row = Wo[_D:].reshape(1, _D)
    out = _tc_dense(xu, xi, mboth, W1[:_D], W1[_D:], b1.reshape(1, 128), W2,
                    b2.reshape(1, _D), wog_row, woh_row, bo.reshape(1, 1))
    return out.reshape(_BATCH, 1)

# --- scband reference (transcript-rebuilt; emitter-appended) ---
"""Pipeline reference for scband-ncfmodel-80590766342219 (READ-ONLY COPY).

The authoritative reference and input builder live on the scoring server;
editing this copy changes nothing except your own understanding.
"""

import jax, jax.numpy as jnp
import numpy as np

NUM_USERS = 100000
NUM_ITEMS = 100000
EMBED_DIM = 64
BATCH = 16384


def setup_inputs(seed: int = 0) -> dict:
    key = jax.random.key(seed)
    ks = jax.random.split(key, 12)
    user_indices = jax.random.randint(ks[0], (BATCH,), 0, NUM_USERS, dtype=jnp.int64 if jax.config.jax_enable_x64 else jnp.int32)
    item_indices = jax.random.randint(ks[1], (BATCH,), 0, NUM_ITEMS, dtype=jnp.int64 if jax.config.jax_enable_x64 else jnp.int32)
    Eug = jax.random.normal(ks[2], (NUM_USERS, EMBED_DIM), dtype=jnp.float32) * 0.02
    Eig = jax.random.normal(ks[3], (NUM_ITEMS, EMBED_DIM), dtype=jnp.float32) * 0.02
    Eum = jax.random.normal(ks[4], (NUM_USERS, EMBED_DIM), dtype=jnp.float32) * 0.02
    Eim = jax.random.normal(ks[5], (NUM_ITEMS, EMBED_DIM), dtype=jnp.float32) * 0.02
    W1 = jax.random.normal(ks[6], (2 * EMBED_DIM, 128), dtype=jnp.float32) * (1.0 / np.sqrt(2 * EMBED_DIM))
    b1 = jnp.zeros((128,), dtype=jnp.float32)
    W2 = jax.random.normal(ks[7], (128, 64), dtype=jnp.float32) * (1.0 / np.sqrt(128))
    b2 = jnp.zeros((64,), dtype=jnp.float32)
    Wo = jax.random.normal(ks[8], (EMBED_DIM + 64, 1), dtype=jnp.float32) * (1.0 / np.sqrt(EMBED_DIM + 64))
    bo = jnp.zeros((1,), dtype=jnp.float32)
    return {"user_indices": user_indices, "item_indices": item_indices,
            "Eug": Eug, "Eig": Eig, "Eum": Eum, "Eim": Eim,
            "W1": W1, "b1": b1, "W2": W2, "b2": b2, "Wo": Wo, "bo": bo}


def reference(user_indices, item_indices, Eug, Eig, Eum, Eim, W1, b1, W2, b2, Wo, bo):
    # GMF branch: embedding gathers + elementwise product
    ug = jnp.take(Eug, user_indices, axis=0)
    ig = jnp.take(Eig, item_indices, axis=0)
    gmf = ug * ig
    # MLP branch: embedding gathers + concat + MLP (dropout is identity at eval)
    um = jnp.take(Eum, user_indices, axis=0)
    im = jnp.take(Eim, item_indices, axis=0)
    x = jnp.concatenate([um, im], axis=1)
    h = jax.nn.relu(x @ W1 + b1)
    h = jax.nn.relu(h @ W2 + b2)
    final = jnp.concatenate([gmf, h], axis=1)
    out = jax.nn.sigmoid(final @ Wo + bo)
    return out

if __name__ == "__main__":
    import jax
    _d = setup_inputs()
    print(jax.jit(kernel)(*tuple(_d.values())))

</pallas_src>

<mosaic_0001>
#map = affine_map<(d0, d1) -> (0)>
#map1 = affine_map<(d0, d1) -> (0, 0)>
module attributes {stable_mosaic.version = 14 : i64} {
  func.func @k(%arg0: i32, %arg1: i32, %arg2: memref<16384xi32, #tpu.memory_space<hbm>>, %arg3: memref<50176x128xf32, #tpu.memory_space<hbm>>, %arg4: memref<16384x128xf32, #tpu.memory_space<hbm>>, %arg5: memref<512xi32, #tpu.memory_space<vmem>>, %arg6: memref<128x128xf32, #tpu.memory_space<vmem>>, %arg7: memref<128x128xf32, #tpu.memory_space<vmem>>, %arg8: memref<!tpu.dma_semaphore, #tpu.memory_space<semaphore_mem>>, %arg9: memref<!tpu.dma_semaphore, #tpu.memory_space<semaphore_mem>>, %arg10: memref<!tpu.dma_semaphore, #tpu.memory_space<semaphore_mem>>, %arg11: memref<!tpu.dma_semaphore, #tpu.memory_space<semaphore_mem>>) attributes {dimension_semantics = [#tpu.dimension_semantics<core_parallel>, #tpu.dimension_semantics<subcore_parallel>], iteration_bounds = array<i64: 2, 16>, scalar_prefetch = 0 : i64, scratch_operands = 7 : i64, tpu.core_type = #tpu.core_type<sc_vector_subcore>, window_params = [{transform_indices = #map}, {transform_indices = #map1}, {transform_indices = #map1}]} {
    %mul3A = arith.constant 2 : i32
    %mul3A_0 = arith.muli %arg1, %mul3A : i32
    %add3A = arith.addi %mul3A_0, %arg0 : i32
    %mul3A_1 = arith.constant 512 : i32
    %mul3A_2 = arith.muli %add3A, %mul3A_1 : i32
    "tpu.region"() ({
      %run_scoped3A = tpu.sem_alloc : memref<!tpu.dma_semaphore, #tpu.memory_space<semaphore_mem>>
      %dma_start3A_81 = tpu.memref_slice %arg2[%mul3A_2] : memref<16384xi32, #tpu.memory_space<hbm>> -> memref<512xi32, #tpu.memory_space<hbm>>
      %dma_start3A_82 = tpu.memref_slice %arg2[%mul3A_2] : memref<16384xi32, #tpu.memory_space<hbm>> -> memref<512xi32, #tpu.memory_space<hbm>>
      tpu.enqueue_dma source(%dma_start3A_82 : memref<512xi32, #tpu.memory_space<hbm>>) target(%arg5 : memref<512xi32, #tpu.memory_space<vmem>>) target_semaphore(%run_scoped3A : memref<!tpu.dma_semaphore, #tpu.memory_space<semaphore_mem>>)
      %dma_wait3A_83 = tpu.memref_slice %arg2[%mul3A_2] : memref<16384xi32, #tpu.memory_space<hbm>> -> memref<512xi32, #tpu.memory_space<hbm>>
      %dma_wait3A_84 = tpu.memref_slice %arg2[%mul3A_2] : memref<16384xi32, #tpu.memory_space<hbm>> -> memref<512xi32, #tpu.memory_space<hbm>>
      tpu.wait_dma2 semaphore(%run_scoped3A : memref<!tpu.dma_semaphore, #tpu.memory_space<semaphore_mem>>) src(%dma_wait3A_84 : memref<512xi32, #tpu.memory_space<hbm>>) dst(%arg5 : memref<512xi32, #tpu.memory_space<vmem>>)
      tpu.yield
    }) : () -> ()
    %dma_start3A = arith.constant 0 : i32
    %dma_start3A_3 = tpu.memref_slice %arg5[%dma_start3A] : memref<512xi32, #tpu.memory_space<vmem>> -> memref<128xi32, #tpu.memory_space<vmem>>
    %dma_start3A_4 = arith.constant 0 : i32
    %dma_start3A_5 = arith.constant 0 : i32
    %dma_start3A_6 = tpu.memref_slice %arg3[%dma_start3A_4, %dma_start3A_5] : memref<50176x128xf32, #tpu.memory_space<hbm>> -> memref<50176x128xf32, #tpu.memory_space<hbm>>
    tpu.enqueue_indirect_dma source(%dma_start3A_6 : memref<50176x128xf32, #tpu.memory_space<hbm>>) target(%arg6 : memref<128x128xf32, #tpu.memory_space<vmem>>) offsets(%dma_start3A_3 : memref<128xi32, #tpu.memory_space<vmem>>) semaphore(%arg8 : memref<!tpu.dma_semaphore, #tpu.memory_space<semaphore_mem>>)
    %dma_start3A_7 = arith.constant 128 : i32
    %dma_start3A_8 = tpu.memref_slice %arg5[%dma_start3A_7] : memref<512xi32, #tpu.memory_space<vmem>> -> memref<128xi32, #tpu.memory_space<vmem>>
    %dma_start3A_9 = arith.constant 0 : i32
    %dma_start3A_10 = arith.constant 0 : i32
    %dma_start3A_11 = tpu.memref_slice %arg3[%dma_start3A_9, %dma_start3A_10] : memref<50176x128xf32, #tpu.memory_space<hbm>> -> memref<50176x128xf32, #tpu.memory_space<hbm>>
    tpu.enqueue_indirect_dma source(%dma_start3A_11 : memref<50176x128xf32, #tpu.memory_space<hbm>>) target(%arg7 : memref<128x128xf32, #tpu.memory_space<vmem>>) offsets(%dma_start3A_8 : memref<128xi32, #tpu.memory_space<vmem>>) semaphore(%arg9 : memref<!tpu.dma_semaphore, #tpu.memory_space<semaphore_mem>>)
    %dma_wait3A = arith.constant 0 : i32
    %dma_wait3A_12 = tpu.memref_slice %arg5[%dma_wait3A] : memref<512xi32, #tpu.memory_space<vmem>> -> memref<128xi32, #tpu.memory_space<vmem>>
    %dma_wait3A_13 = arith.constant 0 : i32
    %dma_wait3A_14 = arith.constant 0 : i32
    %dma_wait3A_15 = tpu.memref_slice %arg3[%dma_wait3A_13, %dma_wait3A_14] : memref<50176x128xf32, #tpu.memory_space<hbm>> -> memref<50176x128xf32, #tpu.memory_space<hbm>>
    tpu.wait_indirect_dma semaphore(%arg8 : memref<!tpu.dma_semaphore, #tpu.memory_space<semaphore_mem>>) src(%dma_wait3A_15 : memref<50176x128xf32, #tpu.memory_space<hbm>>) dst(%arg6 : memref<128x128xf32, #tpu.memory_space<vmem>>)
    %add3A_16 = arith.constant 0 : i32
    %add3A_17 = arith.addi %mul3A_2, %add3A_16 : i32
    %dma_start3A_18 = arith.constant 0 : i32
    %dma_start3A_19 = tpu.memref_slice %arg4[%add3A_17, %dma_start3A_18] : memref<16384x128xf32, #tpu.memory_space<hbm>> -> memref<128x128xf32, #tpu.memory_space<hbm>>
    %dma_start3A_20 = arith.constant 0 : i32
    %dma_start3A_21 = tpu.memref_slice %arg4[%add3A_17, %dma_start3A_20] : memref<16384x128xf32, #tpu.memory_space<hbm>> -> memref<128x128xf32, #tpu.memory_space<hbm>>
    tpu.enqueue_dma source(%arg6 : memref<128x128xf32, #tpu.memory_space<vmem>>) target(%dma_start3A_21 : memref<128x128xf32, #tpu.memory_space<hbm>>) target_semaphore(%arg10 : memref<!tpu.dma_semaphore, #tpu.memory_space<semaphore_mem>>)
    %dma_wait3A_22 = arith.constant 0 : i32
    %dma_wait3A_23 = tpu.memref_slice %arg4[%add3A_17, %dma_wait3A_22] : memref<16384x128xf32, #tpu.memory_space<hbm>> -> memref<128x128xf32, #tpu.memory_space<hbm>>
    %dma_wait3A_24 = arith.constant 0 : i32
    %dma_wait3A_25 = tpu.memref_slice %arg4[%add3A_17, %dma_wait3A_24] : memref<16384x128xf32, #tpu.memory_space<hbm>> -> memref<128x128xf32, #tpu.memory_space<hbm>>
    tpu.wait_dma2 semaphore(%arg10 : memref<!tpu.dma_semaphore, #tpu.memory_space<semaphore_mem>>) src(%arg6 : memref<128x128xf32, #tpu.memory_space<vmem>>) dst(%dma_wait3A_25 : memref<128x128xf32, #tpu.memory_space<hbm>>)
    %dma_start3A_26 = arith.constant 256 : i32
    %dma_start3A_27 = tpu.memref_slice %arg5[%dma_start3A_26] : memref<512xi32, #tpu.memory_space<vmem>> -> memref<128xi32, #tpu.memory_space<vmem>>
    %dma_start3A_28 = arith.constant 0 : i32
    %dma_start3A_29 = arith.constant 0 : i32
    %dma_start3A_30 = tpu.memref_slice %arg3[%dma_start3A_28, %dma_start3A_29] : memref<50176x128xf32, #tpu.memory_space<hbm>> -> memref<50176x128xf32, #tpu.memory_space<hbm>>
    tpu.enqueue_indirect_dma source(%dma_start3A_30 : memref<50176x128xf32, #tpu.memory_space<hbm>>) target(%arg6 : memref<128x128xf32, #tpu.memory_space<vmem>>) offsets(%dma_start3A_27 : memref<128xi32, #tpu.memory_space<vmem>>) semaphore(%arg8 : memref<!tpu.dma_semaphore, #tpu.memory_space<semaphore_mem>>)
    %dma_wait3A_31 = arith.constant 128 : i32
    %dma_wait3A_32 = tpu.memref_slice %arg5[%dma_wait3A_31] : memref<512xi32, #tpu.memory_space<vmem>> -> memref<128xi32, #tpu.memory_space<vmem>>
    %dma_wait3A_33 = arith.constant 0 : i32
    %dma_wait3A_34 = arith.constant 0 : i32
    %dma_wait3A_35 = tpu.memref_slice %arg3[%dma_wait3A_33, %dma_wait3A_34] : memref<50176x128xf32, #tpu.memory_space<hbm>> -> memref<50176x128xf32, #tpu.memory_space<hbm>>
    tpu.wait_indirect_dma semaphore(%arg9 : memref<!tpu.dma_semaphore, #tpu.memory_space<semaphore_mem>>) src(%dma_wait3A_35 : memref<50176x128xf32, #tpu.memory_space<hbm>>) dst(%arg7 : memref<128x128xf32, #tpu.memory_space<vmem>>)
    %add3A_36 = arith.constant 128 : i32
    %add3A_37 = arith.addi %mul3A_2, %add3A_36 : i32
    %dma_start3A_38 = arith.constant 0 : i32
    %dma_start3A_39 = tpu.memref_slice %arg4[%add3A_37, %dma_start3A_38] : memref<16384x128xf32, #tpu.memory_space<hbm>> -> memref<128x128xf32, #tpu.memory_space<hbm>>
    %dma_start3A_40 = arith.constant 0 : i32
    %dma_start3A_41 = tpu.memref_slice %arg4[%add3A_37, %dma_start3A_40] : memref<16384x128xf32, #tpu.memory_space<hbm>> -> memref<128x128xf32, #tpu.memory_space<hbm>>
    tpu.enqueue_dma source(%arg7 : memref<128x128xf32, #tpu.memory_space<vmem>>) target(%dma_start3A_41 : memref<128x128xf32, #tpu.memory_space<hbm>>) target_semaphore(%arg11 : memref<!tpu.dma_semaphore, #tpu.memory_space<semaphore_mem>>)
    %dma_wait3A_42 = arith.constant 0 : i32
    %dma_wait3A_43 = tpu.memref_slice %arg4[%add3A_37, %dma_wait3A_42] : memref<16384x128xf32, #tpu.memory_space<hbm>> -> memref<128x128xf32, #tpu.memory_space<hbm>>
    %dma_wait3A_44 = arith.constant 0 : i32
    %dma_wait3A_45 = tpu.memref_slice %arg4[%add3A_37, %dma_wait3A_44] : memref<16384x128xf32, #tpu.memory_space<hbm>> -> memref<128x128xf32, #tpu.memory_space<hbm>>
    tpu.wait_dma2 semaphore(%arg11 : memref<!tpu.dma_semaphore, #tpu.memory_space<semaphore_mem>>) src(%arg7 : memref<128x128xf32, #tpu.memory_space<vmem>>) dst(%dma_wait3A_45 : memref<128x128xf32, #tpu.memory_space<hbm>>)
    %dma_start3A_46 = arith.constant 384 : i32
    %dma_start3A_47 = tpu.memref_slice %arg5[%dma_start3A_46] : memref<512xi32, #tpu.memory_space<vmem>> -> memref<128xi32, #tpu.memory_space<vmem>>
    %dma_start3A_48 = arith.constant 0 : i32
    %dma_start3A_49 = arith.constant 0 : i32
    %dma_start3A_50 = tpu.memref_slice %arg3[%dma_start3A_48, %dma_start3A_49] : memref<50176x128xf32, #tpu.memory_space<hbm>> -> memref<50176x128xf32, #tpu.memory_space<hbm>>
    tpu.enqueue_indirect_dma source(%dma_start3A_50 : memref<50176x128xf32, #tpu.memory_space<hbm>>) target(%arg7 : memref<128x128xf32, #tpu.memory_space<vmem>>) offsets(%dma_start3A_47 : memref<128xi32, #tpu.memory_space<vmem>>) semaphore(%arg9 : memref<!tpu.dma_semaphore, #tpu.memory_space<semaphore_mem>>)
    %dma_wait3A_51 = arith.constant 256 : i32
    %dma_wait3A_52 = tpu.memref_slice %arg5[%dma_wait3A_51] : memref<512xi32, #tpu.memory_space<vmem>> -> memref<128xi32, #tpu.memory_space<vmem>>
    %dma_wait3A_53 = arith.constant 0 : i32
    %dma_wait3A_54 = arith.constant 0 : i32
    %dma_wait3A_55 = tpu.memref_slice %arg3[%dma_wait3A_53, %dma_wait3A_54] : memref<50176x128xf32, #tpu.memory_space<hbm>> -> memref<50176x128xf32, #tpu.memory_space<hbm>>
    tpu.wait_indirect_dma semaphore(%arg8 : memref<!tpu.dma_semaphore, #tpu.memory_space<semaphore_mem>>) src(%dma_wait3A_55 : memref<50176x128xf32, #tpu.memory_space<hbm>>) dst(%arg6 : memref<128x128xf32, #tpu.memory_space<vmem>>)
    %add3A_56 = arith.constant 256 : i32
    %add3A_57 = arith.addi %mul3A_2, %add3A_56 : i32
    %dma_start3A_58 = arith.constant 0 : i32
    %dma_start3A_59 = tpu.memref_slice %arg4[%add3A_57, %dma_start3A_58] : memref<16384x128xf32, #tpu.memory_space<hbm>> -> memref<128x128xf32, #tpu.memory_space<hbm>>
    %dma_start3A_60 = arith.constant 0 : i32
    %dma_start3A_61 = tpu.memref_slice %arg4[%add3A_57, %dma_start3A_60] : memref<16384x128xf32, #tpu.memory_space<hbm>> -> memref<128x128xf32, #tpu.memory_space<hbm>>
    tpu.enqueue_dma source(%arg6 : memref<128x128xf32, #tpu.memory_space<vmem>>) target(%dma_start3A_61 : memref<128x128xf32, #tpu.memory_space<hbm>>) target_semaphore(%arg10 : memref<!tpu.dma_semaphore, #tpu.memory_space<semaphore_mem>>)
    %dma_wait3A_62 = arith.constant 384 : i32
    %dma_wait3A_63 = tpu.memref_slice %arg5[%dma_wait3A_62] : memref<512xi32, #tpu.memory_space<vmem>> -> memref<128xi32, #tpu.memory_space<vmem>>
    %dma_wait3A_64 = arith.constant 0 : i32
    %dma_wait3A_65 = arith.constant 0 : i32
    %dma_wait3A_66 = tpu.memref_slice %arg3[%dma_wait3A_64, %dma_wait3A_65] : memref<50176x128xf32, #tpu.memory_space<hbm>> -> memref<50176x128xf32, #tpu.memory_space<hbm>>
    tpu.wait_indirect_dma semaphore(%arg9 : memref<!tpu.dma_semaphore, #tpu.memory_space<semaphore_mem>>) src(%dma_wait3A_66 : memref<50176x128xf32, #tpu.memory_space<hbm>>) dst(%arg7 : memref<128x128xf32, #tpu.memory_space<vmem>>)
    %add3A_67 = arith.constant 384 : i32
    %add3A_68 = arith.addi %mul3A_2, %add3A_67 : i32
    %dma_start3A_69 = arith.constant 0 : i32
    %dma_start3A_70 = tpu.memref_slice %arg4[%add3A_68, %dma_start3A_69] : memref<16384x128xf32, #tpu.memory_space<hbm>> -> memref<128x128xf32, #tpu.memory_space<hbm>>
    %dma_start3A_71 = arith.constant 0 : i32
    %dma_start3A_72 = tpu.memref_slice %arg4[%add3A_68, %dma_start3A_71] : memref<16384x128xf32, #tpu.memory_space<hbm>> -> memref<128x128xf32, #tpu.memory_space<hbm>>
    tpu.enqueue_dma source(%arg7 : memref<128x128xf32, #tpu.memory_space<vmem>>) target(%dma_start3A_72 : memref<128x128xf32, #tpu.memory_space<hbm>>) target_semaphore(%arg11 : memref<!tpu.dma_semaphore, #tpu.memory_space<semaphore_mem>>)
    %dma_wait3A_73 = arith.constant 0 : i32
    %dma_wait3A_74 = tpu.memref_slice %arg4[%add3A_57, %dma_wait3A_73] : memref<16384x128xf32, #tpu.memory_space<hbm>> -> memref<128x128xf32, #tpu.memory_space<hbm>>
    %dma_wait3A_75 = arith.constant 0 : i32
    %dma_wait3A_76 = tpu.memref_slice %arg4[%add3A_57, %dma_wait3A_75] : memref<16384x128xf32, #tpu.memory_space<hbm>> -> memref<128x128xf32, #tpu.memory_space<hbm>>
    tpu.wait_dma2 semaphore(%arg10 : memref<!tpu.dma_semaphore, #tpu.memory_space<semaphore_mem>>) src(%arg6 : memref<128x128xf32, #tpu.memory_space<vmem>>) dst(%dma_wait3A_76 : memref<128x128xf32, #tpu.memory_space<hbm>>)
    %dma_wait3A_77 = arith.constant 0 : i32
    %dma_wait3A_78 = tpu.memref_slice %arg4[%add3A_68, %dma_wait3A_77] : memref<16384x128xf32, #tpu.memory_space<hbm>> -> memref<128x128xf32, #tpu.memory_space<hbm>>
    %dma_wait3A_79 = arith.constant 0 : i32
    %dma_wait3A_80 = tpu.memref_slice %arg4[%add3A_68, %dma_wait3A_79] : memref<16384x128xf32, #tpu.memory_space<hbm>> -> memref<128x128xf32, #tpu.memory_space<hbm>>
    tpu.wait_dma2 semaphore(%arg11 : memref<!tpu.dma_semaphore, #tpu.memory_space<semaphore_mem>>) src(%arg7 : memref<128x128xf32, #tpu.memory_space<vmem>>) dst(%dma_wait3A_80 : memref<128x128xf32, #tpu.memory_space<hbm>>)
    return
  }
}

#map = affine_map<(d0, d1) -> (0)>
#map1 = affine_map<(d0, d1) -> (0, 0)>
module attributes {stable_mosaic.version = 14 : i64} {
  func.func @k(%arg0: i32, %arg1: i32, %arg2: memref<16384xi32, #tpu.memory_space<hbm>>, %arg3: memref<50176x128xf32, #tpu.memory_space<hbm>>, %arg4: memref<16384x128xf32, #tpu.memory_space<hbm>>, %arg5: memref<512xi32, #tpu.memory_space<vmem>>, %arg6: memref<128x128xf32, #tpu.memory_space<vmem>>, %arg7: memref<128x128xf32, #tpu.memory_space<vmem>>, %arg8: memref<!tpu.dma_semaphore, #tpu.memory_space<semaphore_mem>>, %arg9: memref<!tpu.dma_semaphore, #tpu.memory_space<semaphore_mem>>, %arg10: memref<!tpu.dma_semaphore, #tpu.memory_space<semaphore_mem>>, %arg11: memref<!tpu.dma_semaphore, #tpu.memory_space<semaphore_mem>>) attributes {dimension_semantics = [#tpu.dimension_semantics<core_parallel>, #tpu.dimension_semantics<subcore_parallel>], iteration_bounds = array<i64: 2, 16>, scalar_prefetch = 0 : i64, scratch_operands = 7 : i64, tpu.core_type = #tpu.core_type<sc_vector_subcore>, window_params = [{transform_indices = #map}, {transform_indices = #map1}, {transform_indices = #map1}]} {
    %mul3A = arith.constant 2 : i32
    %mul3A_0 = arith.muli %arg1, %mul3A : i32
    %add3A = arith.addi %mul3A_0, %arg0 : i32
    %mul3A_1 = arith.constant 512 : i32
    %mul3A_2 = arith.muli %add3A, %mul3A_1 : i32
    "tpu.region"() ({
      %run_scoped3A = tpu.sem_alloc : memref<!tpu.dma_semaphore, #tpu.memory_space<semaphore_mem>>
      %dma_start3A_81 = tpu.memref_slice %arg2[%mul3A_2] : memref<16384xi32, #tpu.memory_space<hbm>> -> memref<512xi32, #tpu.memory_space<hbm>>
      %dma_start3A_82 = tpu.memref_slice %arg2[%mul3A_2] : memref<16384xi32, #tpu.memory_space<hbm>> -> memref<512xi32, #tpu.memory_space<hbm>>
      tpu.enqueue_dma source(%dma_start3A_82 : memref<512xi32, #tpu.memory_space<hbm>>) target(%arg5 : memref<512xi32, #tpu.memory_space<vmem>>) target_semaphore(%run_scoped3A : memref<!tpu.dma_semaphore, #tpu.memory_space<semaphore_mem>>)
      %dma_wait3A_83 = tpu.memref_slice %arg2[%mul3A_2] : memref<16384xi32, #tpu.memory_space<hbm>> -> memref<512xi32, #tpu.memory_space<hbm>>
      %dma_wait3A_84 = tpu.memref_slice %arg2[%mul3A_2] : memref<16384xi32, #tpu.memory_space<hbm>> -> memref<512xi32, #tpu.memory_space<hbm>>
      tpu.wait_dma2 semaphore(%run_scoped3A : memref<!tpu.dma_semaphore, #tpu.memory_space<semaphore_mem>>) src(%dma_wait3A_84 : memref<512xi32, #tpu.memory_space<hbm>>) dst(%arg5 : memref<512xi32, #tpu.memory_space<vmem>>)
      tpu.yield
    }) : () -> ()
    %dma_start3A = arith.constant 0 : i32
    %dma_start3A_3 = tpu.memref_slice %arg5[%dma_start3A] : memref<512xi32, #tpu.memory_space<vmem>> -> memref<128xi32, #tpu.memory_space<vmem>>
    %dma_start3A_4 = arith.constant 0 : i32
    %dma_start3A_5 = arith.constant 0 : i32
    %dma_start3A_6 = tpu.memref_slice %arg3[%dma_start3A_4, %dma_start3A_5] : memref<50176x128xf32, #tpu.memory_space<hbm>> -> memref<50176x128xf32, #tpu.memory_space<hbm>>
    tpu.enqueue_indirect_dma source(%dma_start3A_6 : memref<50176x128xf32, #tpu.memory_space<hbm>>) target(%arg6 : memref<128x128xf32, #tpu.memory_space<vmem>>) offsets(%dma_start3A_3 : memref<128xi32, #tpu.memory_space<vmem>>) semaphore(%arg8 : memref<!tpu.dma_semaphore, #tpu.memory_space<semaphore_mem>>)
    %dma_start3A_7 = arith.constant 128 : i32
    %dma_start3A_8 = tpu.memref_slice %arg5[%dma_start3A_7] : memref<512xi32, #tpu.memory_space<vmem>> -> memref<128xi32, #tpu.memory_space<vmem>>
    %dma_start3A_9 = arith.constant 0 : i32
    %dma_start3A_10 = arith.constant 0 : i32
    %dma_start3A_11 = tpu.memref_slice %arg3[%dma_start3A_9, %dma_start3A_10] : memref<50176x128xf32, #tpu.memory_space<hbm>> -> memref<50176x128xf32, #tpu.memory_space<hbm>>
    tpu.enqueue_indirect_dma source(%dma_start3A_11 : memref<50176x128xf32, #tpu.memory_space<hbm>>) target(%arg7 : memref<128x128xf32, #tpu.memory_space<vmem>>) offsets(%dma_start3A_8 : memref<128xi32, #tpu.memory_space<vmem>>) semaphore(%arg9 : memref<!tpu.dma_semaphore, #tpu.memory_space<semaphore_mem>>)
    %dma_wait3A = arith.constant 0 : i32
    %dma_wait3A_12 = tpu.memref_slice %arg5[%dma_wait3A] : memref<512xi32, #tpu.memory_space<vmem>> -> memref<128xi32, #tpu.memory_space<vmem>>
    %dma_wait3A_13 = arith.constant 0 : i32
    %dma_wait3A_14 = arith.constant 0 : i32
    %dma_wait3A_15 = tpu.memref_slice %arg3[%dma_wait3A_13, %dma_wait3A_14] : memref<50176x128xf32, #tpu.memory_space<hbm>> -> memref<50176x128xf32, #tpu.memory_space<hbm>>
    tpu.wait_indirect_dma semaphore(%arg8 : memref<!tpu.dma_semaphore, #tpu.memory_space<semaphore_mem>>) src(%dma_wait3A_15 : memref<50176x128xf32, #tpu.memory_space<hbm>>) dst(%arg6 : memref<128x128xf32, #tpu.memory_space<vmem>>)
    %add3A_16 = arith.constant 0 : i32
    %add3A_17 = arith.addi %mul3A_2, %add3A_16 : i32
    %dma_start3A_18 = arith.constant 0 : i32
    %dma_start3A_19 = tpu.memref_slice %arg4[%add3A_17, %dma_start3A_18] : memref<16384x128xf32, #tpu.memory_space<hbm>> -> memref<128x128xf32, #tpu.memory_space<hbm>>
    %dma_start3A_20 = arith.constant 0 : i32
    %dma_start3A_21 = tpu.memref_slice %arg4[%add3A_17, %dma_start3A_20] : memref<16384x128xf32, #tpu.memory_space<hbm>> -> memref<128x128xf32, #tpu.memory_space<hbm>>
    tpu.enqueue_dma source(%arg6 : memref<128x128xf32, #tpu.memory_space<vmem>>) target(%dma_start3A_21 : memref<128x128xf32, #tpu.memory_space<hbm>>) target_semaphore(%arg10 : memref<!tpu.dma_semaphore, #tpu.memory_space<semaphore_mem>>)
    %dma_wait3A_22 = arith.constant 0 : i32
    %dma_wait3A_23 = tpu.memref_slice %arg4[%add3A_17, %dma_wait3A_22] : memref<16384x128xf32, #tpu.memory_space<hbm>> -> memref<128x128xf32, #tpu.memory_space<hbm>>
    %dma_wait3A_24 = arith.constant 0 : i32
    %dma_wait3A_25 = tpu.memref_slice %arg4[%add3A_17, %dma_wait3A_24] : memref<16384x128xf32, #tpu.memory_space<hbm>> -> memref<128x128xf32, #tpu.memory_space<hbm>>
    tpu.wait_dma2 semaphore(%arg10 : memref<!tpu.dma_semaphore, #tpu.memory_space<semaphore_mem>>) src(%arg6 : memref<128x128xf32, #tpu.memory_space<vmem>>) dst(%dma_wait3A_25 : memref<128x128xf32, #tpu.memory_space<hbm>>)
    %dma_start3A_26 = arith.constant 256 : i32
    %dma_start3A_27 = tpu.memref_slice %arg5[%dma_start3A_26] : memref<512xi32, #tpu.memory_space<vmem>> -> memref<128xi32, #tpu.memory_space<vmem>>
    %dma_start3A_28 = arith.constant 0 : i32
    %dma_start3A_29 = arith.constant 0 : i32
    %dma_start3A_30 = tpu.memref_slice %arg3[%dma_start3A_28, %dma_start3A_29] : memref<50176x128xf32, #tpu.memory_space<hbm>> -> memref<50176x128xf32, #tpu.memory_space<hbm>>
    tpu.enqueue_indirect_dma source(%dma_start3A_30 : memref<50176x128xf32, #tpu.memory_space<hbm>>) target(%arg6 : memref<128x128xf32, #tpu.memory_space<vmem>>) offsets(%dma_start3A_27 : memref<128xi32, #tpu.memory_space<vmem>>) semaphore(%arg8 : memref<!tpu.dma_semaphore, #tpu.memory_space<semaphore_mem>>)
    %dma_wait3A_31 = arith.constant 128 : i32
    %dma_wait3A_32 = tpu.memref_slice %arg5[%dma_wait3A_31] : memref<512xi32, #tpu.memory_space<vmem>> -> memref<128xi32, #tpu.memory_space<vmem>>
    %dma_wait3A_33 = arith.constant 0 : i32
    %dma_wait3A_34 = arith.constant 0 : i32
    %dma_wait3A_35 = tpu.memref_slice %arg3[%dma_wait3A_33, %dma_wait3A_34] : memref<50176x128xf32, #tpu.memory_space<hbm>> -> memref<50176x128xf32, #tpu.memory_space<hbm>>
    tpu.wait_indirect_dma semaphore(%arg9 : memref<!tpu.dma_semaphore, #tpu.memory_space<semaphore_mem>>) src(%dma_wait3A_35 : memref<50176x128xf32, #tpu.memory_space<hbm>>) dst(%arg7 : memref<128x128xf32, #tpu.memory_space<vmem>>)
    %add3A_36 = arith.constant 128 : i32
    %add3A_37 = arith.addi %mul3A_2, %add3A_36 : i32
    %dma_start3A_38 = arith.constant 0 : i32
    %dma_start3A_39 = tpu.memref_slice %arg4[%add3A_37, %dma_start3A_38] : memref<16384x128xf32, #tpu.memory_space<hbm>> -> memref<128x128xf32, #tpu.memory_space<hbm>>
    %dma_start3A_40 = arith.constant 0 : i32
    %dma_start3A_41 = tpu.memref_slice %arg4[%add3A_37, %dma_start3A_40] : memref<16384x128xf32, #tpu.memory_space<hbm>> -> memref<128x128xf32, #tpu.memory_space<hbm>>
    tpu.enqueue_dma source(%arg7 : memref<128x128xf32, #tpu.memory_space<vmem>>) target(%dma_start3A_41 : memref<128x128xf32, #tpu.memory_space<hbm>>) target_semaphore(%arg11 : memref<!tpu.dma_semaphore, #tpu.memory_space<semaphore_mem>>)
    %dma_wait3A_42 = arith.constant 0 : i32
    %dma_wait3A_43 = tpu.memref_slice %arg4[%add3A_37, %dma_wait3A_42] : memref<16384x128xf32, #tpu.memory_space<hbm>> -> memref<128x128xf32, #tpu.memory_space<hbm>>
    %dma_wait3A_44 = arith.constant 0 : i32
    %dma_wait3A_45 = tpu.memref_slice %arg4[%add3A_37, %dma_wait3A_44] : memref<16384x128xf32, #tpu.memory_space<hbm>> -> memref<128x128xf32, #tpu.memory_space<hbm>>
    tpu.wait_dma2 semaphore(%arg11 : memref<!tpu.dma_semaphore, #tpu.memory_space<semaphore_mem>>) src(%arg7 : memref<128x128xf32, #tpu.memory_space<vmem>>) dst(%dma_wait3A_45 : memref<128x128xf32, #tpu.memory_space<hbm>>)
    %dma_start3A_46 = arith.constant 384 : i32
    %dma_start3A_47 = tpu.memref_slice %arg5[%dma_start3A_46] : memref<512xi32, #tpu.memory_space<vmem>> -> memref<128xi32, #tpu.memory_space<vmem>>
    %dma_start3A_48 = arith.constant 0 : i32
    %dma_start3A_49 = arith.constant 0 : i32
    %dma_start3A_50 = tpu.memref_slice %arg3[%dma_start3A_48, %dma_start3A_49] : memref<50176x128xf32, #tpu.memory_space<hbm>> -> memref<50176x128xf32, #tpu.memory_space<hbm>>
    tpu.enqueue_indirect_dma source(%dma_start3A_50 : memref<50176x128xf32, #tpu.memory_space<hbm>>) target(%arg7 : memref<128x128xf32, #tpu.memory_space<vmem>>) offsets(%dma_start3A_47 : memref<128xi32, #tpu.memory_space<vmem>>) semaphore(%arg9 : memref<!tpu.dma_semaphore, #tpu.memory_space<semaphore_mem>>)
    %dma_wait3A_51 = arith.constant 256 : i32
    %dma_wait3A_52 = tpu.memref_slice %arg5[%dma_wait3A_51] : memref<512xi32, #tpu.memory_space<vmem>> -> memref<128xi32, #tpu.memory_space<vmem>>
    %dma_wait3A_53 = arith.constant 0 : i32
    %dma_wait3A_54 = arith.constant 0 : i32
    %dma_wait3A_55 = tpu.memref_slice %arg3[%dma_wait3A_53, %dma_wait3A_54] : memref<50176x128xf32, #tpu.memory_space<hbm>> -> memref<50176x128xf32, #tpu.memory_space<hbm>>
    tpu.wait_indirect_dma semaphore(%arg8 : memref<!tpu.dma_semaphore, #tpu.memory_space<semaphore_mem>>) src(%dma_wait3A_55 : memref<50176x128xf32, #tpu.memory_space<hbm>>) dst(%arg6 : memref<128x128xf32, #tpu.memory_space<vmem>>)
    %add3A_56 = arith.constant 256 : i32
    %add3A_57 = arith.addi %mul3A_2, %add3A_56 : i32
    %dma_start3A_58 = arith.constant 0 : i32
    %dma_start3A_59 = tpu.memref_slice %arg4[%add3A_57, %dma_start3A_58] : memref<16384x128xf32, #tpu.memory_space<hbm>> -> memref<128x128xf32, #tpu.memory_space<hbm>>
    %dma_start3A_60 = arith.constant 0 : i32
    %dma_start3A_61 = tpu.memref_slice %arg4[%add3A_57, %dma_start3A_60] : memref<16384x128xf32, #tpu.memory_space<hbm>> -> memref<128x128xf32, #tpu.memory_space<hbm>>
    tpu.enqueue_dma source(%arg6 : memref<128x128xf32, #tpu.memory_space<vmem>>) target(%dma_start3A_61 : memref<128x128xf32, #tpu.memory_space<hbm>>) target_semaphore(%arg10 : memref<!tpu.dma_semaphore, #tpu.memory_space<semaphore_mem>>)
    %dma_wait3A_62 = arith.constant 384 : i32
    %dma_wait3A_63 = tpu.memref_slice %arg5[%dma_wait3A_62] : memref<512xi32, #tpu.memory_space<vmem>> -> memref<128xi32, #tpu.memory_space<vmem>>
    %dma_wait3A_64 = arith.constant 0 : i32
    %dma_wait3A_65 = arith.constant 0 : i32
    %dma_wait3A_66 = tpu.memref_slice %arg3[%dma_wait3A_64, %dma_wait3A_65] : memref<50176x128xf32, #tpu.memory_space<hbm>> -> memref<50176x128xf32, #tpu.memory_space<hbm>>
    tpu.wait_indirect_dma semaphore(%arg9 : memref<!tpu.dma_semaphore, #tpu.memory_space<semaphore_mem>>) src(%dma_wait3A_66 : memref<50176x128xf32, #tpu.memory_space<hbm>>) dst(%arg7 : memref<128x128xf32, #tpu.memory_space<vmem>>)
    %add3A_67 = arith.constant 384 : i32
    %add3A_68 = arith.addi %mul3A_2, %add3A_67 : i32
    %dma_start3A_69 = arith.constant 0 : i32
    %dma_start3A_70 = tpu.memref_slice %arg4[%add3A_68, %dma_start3A_69] : memref<16384x128xf32, #tpu.memory_space<hbm>> -> memref<128x128xf32, #tpu.memory_space<hbm>>
    %dma_start3A_71 = arith.constant 0 : i32
    %dma_start3A_72 = tpu.memref_slice %arg4[%add3A_68, %dma_start3A_71] : memref<16384x128xf32, #tpu.memory_space<hbm>> -> memref<128x128xf32, #tpu.memory_space<hbm>>
    tpu.enqueue_dma source(%arg7 : memref<128x128xf32, #tpu.memory_space<vmem>>) target(%dma_start3A_72 : memref<128x128xf32, #tpu.memory_space<hbm>>) target_semaphore(%arg11 : memref<!tpu.dma_semaphore, #tpu.memory_space<semaphore_mem>>)
    %dma_wait3A_73 = arith.constant 0 : i32
    %dma_wait3A_74 = tpu.memref_slice %arg4[%add3A_57, %dma_wait3A_73] : memref<16384x128xf32, #tpu.memory_space<hbm>> -> memref<128x128xf32, #tpu.memory_space<hbm>>
    %dma_wait3A_75 = arith.constant 0 : i32
    %dma_wait3A_76 = tpu.memref_slice %arg4[%add3A_57, %dma_wait3A_75] : memref<16384x128xf32, #tpu.memory_space<hbm>> -> memref<128x128xf32, #tpu.memory_space<hbm>>
    tpu.wait_dma2 semaphore(%arg10 : memref<!tpu.dma_semaphore, #tpu.memory_space<semaphore_mem>>) src(%arg6 : memref<128x128xf32, #tpu.memory_space<vmem>>) dst(%dma_wait3A_76 : memref<128x128xf32, #tpu.memory_space<hbm>>)
    %dma_wait3A_77 = arith.constant 0 : i32
    %dma_wait3A_78 = tpu.memref_slice %arg4[%add3A_68, %dma_wait3A_77] : memref<16384x128xf32, #tpu.memory_space<hbm>> -> memref<128x128xf32, #tpu.memory_space<hbm>>
    %dma_wait3A_79 = arith.constant 0 : i32
    %dma_wait3A_80 = tpu.memref_slice %arg4[%add3A_68, %dma_wait3A_79] : memref<16384x128xf32, #tpu.memory_space<hbm>> -> memref<128x128xf32, #tpu.memory_space<hbm>>
    tpu.wait_dma2 semaphore(%arg11 : memref<!tpu.dma_semaphore, #tpu.memory_space<semaphore_mem>>) src(%arg7 : memref<128x128xf32, #tpu.memory_space<vmem>>) dst(%dma_wait3A_80 : memref<128x128xf32, #tpu.memory_space<hbm>>)
    return
  }
}

module attributes {stable_mosaic.version = 14 : i64} {
  func.func @body(%arg0: i32, %arg1: memref<64x7168xf32, #tpu.memory_space<vmem>>, %arg2: memref<64x7168xf32, #tpu.memory_space<vmem>>, %arg3: memref<64x7168xf32, #tpu.memory_space<vmem>>, %arg4: memref<64x7168xf32, #tpu.memory_space<vmem>>, %arg5: memref<7168x128xf32, #tpu.memory_space<vmem>>) attributes {dimension_semantics = [#tpu.dimension_semantics<arbitrary>], iteration_bounds = array<i64: 7>, scalar_prefetch = 0 : i64, scratch_operands = 0 : i64, tpu.core_type = #tpu.core_type<tc>, window_params = [{transform_indices = @transform_0, window_bounds = array<i64: 64, 7168>}, {transform_indices = @transform_1, window_bounds = array<i64: 64, 7168>}, {transform_indices = @transform_2, window_bounds = array<i64: 64, 7168>}, {transform_indices = @transform_3, window_bounds = array<i64: 64, 7168>}, {transform_indices = @transform_4, window_bounds = array<i64: 7168, 128>}]} {
    %get3A = arith.constant 0 : index
    %get3A_0 = arith.constant 0 : index
    %get3A_1 = vector.load %arg1[%get3A, %get3A_0] : memref<64x7168xf32, #tpu.memory_space<vmem>>, vector<64x7168xf32>
    %transpose3A = tpu.transpose %get3A_1, [1, 0] : vector<64x7168xf32> -> vector<7168x64xf32>
    %convert_element_type3A = arith.truncf %transpose3A : vector<7168x64xf32> to vector<7168x64xbf16>
    %convert_element_type3A_2 = arith.extf %convert_element_type3A : vector<7168x64xbf16> to vector<7168x64xf32>
    %bitcast_convert_type3A = tpu.bitcast %convert_element_type3A_2 : vector<7168x64xf32> -> vector<7168x64xi32>
    %get3A_3 = arith.constant 0 : index
    %get3A_4 = arith.constant 0 : index
    %get3A_5 = vector.load %arg3[%get3A_3, %get3A_4] : memref<64x7168xf32, #tpu.memory_space<vmem>>, vector<64x7168xf32>
    %transpose3A_6 = tpu.transpose %get3A_5, [1, 0] : vector<64x7168xf32> -> vector<7168x64xf32>
    %convert_element_type3A_7 = arith.truncf %transpose3A_6 : vector<7168x64xf32> to vector<7168x64xbf16>
    %convert_element_type3A_8 = arith.extf %convert_element_type3A_7 : vector<7168x64xbf16> to vector<7168x64xf32>
    %bitcast_convert_type3A_9 = tpu.bitcast %convert_element_type3A_8 : vector<7168x64xf32> -> vector<7168x64xi32>
    %shift_right_logical3A = arith.constant 16 : i32
    %shift_right_logical3A_10 = vector.broadcast %shift_right_logical3A : i32 to vector<7168x64xi32>
    %shift_right_logical3A_11 = arith.shrui %bitcast_convert_type3A, %shift_right_logical3A_10 : vector<7168x64xi32>
    %and3A = arith.constant -65536 : i32
    %and3A_12 = vector.broadcast %and3A : i32 to vector<7168x64xi32>
    %and3A_13 = arith.andi %bitcast_convert_type3A_9, %and3A_12 : vector<7168x64xi32>
    %or3A = arith.ori %shift_right_logical3A_11, %and3A_13 : vector<7168x64xi32>
    %bitcast_convert_type3A_14 = tpu.bitcast %or3A : vector<7168x64xi32> -> vector<7168x64xf32>
    %get3A_15 = arith.constant 0 : index
    %get3A_16 = arith.constant 0 : index
    %get3A_17 = vector.load %arg2[%get3A_15, %get3A_16] : memref<64x7168xf32, #tpu.memory_space<vmem>>, vector<64x7168xf32>
    %transpose3A_18 = tpu.transpose %get3A_17, [1, 0] : vector<64x7168xf32> -> vector<7168x64xf32>
    %convert_element_type3A_19 = arith.truncf %transpose3A_18 : vector<7168x64xf32> to vector<7168x64xbf16>
    %convert_element_type3A_20 = arith.extf %convert_element_type3A_19 : vector<7168x64xbf16> to vector<7168x64xf32>
    %bitcast_convert_type3A_21 = tpu.bitcast %convert_element_type3A_20 : vector<7168x64xf32> -> vector<7168x64xi32>
    %get3A_22 = arith.constant 0 : index
    %get3A_23 = arith.constant 0 : index
    %get3A_24 = vector.load %arg4[%get3A_22, %get3A_23] : memref<64x7168xf32, #tpu.memory_space<vmem>>, vector<64x7168xf32>
    %transpose3A_25 = tpu.transpose %get3A_24, [1, 0] : vector<64x7168xf32> -> vector<7168x64xf32>
    %convert_element_type3A_26 = arith.truncf %transpose3A_25 : vector<7168x64xf32> to vector<7168x64xbf16>
    %convert_element_type3A_27 = arith.extf %convert_element_type3A_26 : vector<7168x64xbf16> to vector<7168x64xf32>
    %bitcast_convert_type3A_28 = tpu.bitcast %convert_element_type3A_27 : vector<7168x64xf32> -> vector<7168x64xi32>
    %shift_right_logical3A_29 = arith.constant 16 : i32
    %shift_right_logical3A_30 = vector.broadcast %shift_right_logical3A_29 : i32 to vector<7168x64xi32>
    %shift_right_logical3A_31 = arith.shrui %bitcast_convert_type3A_21, %shift_right_logical3A_30 : vector<7168x64xi32>
    %and3A_32 = arith.constant -65536 : i32
    %and3A_33 = vector.broadcast %and3A_32 : i32 to vector<7168x64xi32>
    %and3A_34 = arith.andi %bitcast_convert_type3A_28, %and3A_33 : vector<7168x64xi32>
    %or3A_35 = arith.ori %shift_right_logical3A_31, %and3A_34 : vector<7168x64xi32>
    %bitcast_convert_type3A_36 = tpu.bitcast %or3A_35 : vector<7168x64xi32> -> vector<7168x64xf32>
    %concatenate3A = tpu.concatenate %bitcast_convert_type3A_14, %bitcast_convert_type3A_36 in 1 : vector<7168x64xf32>, vector<7168x64xf32> -> vector<7168x128xf32>
    %swap3A = arith.constant 0 : index
    %swap3A_37 = arith.constant 0 : index
    %swap3A_38 = vector.load %arg5[%swap3A, %swap3A_37] : memref<7168x128xf32, #tpu.memory_space<vmem>>, vector<7168x128xf32>
    tpu.vector_store %arg5[%swap3A, %swap3A_37], %concatenate3A {strides = array<i32>} : memref<7168x128xf32, #tpu.memory_space<vmem>>, vector<7168x128xf32>,
    return
  }
  func.func @transform_0(%arg0: i32) -> (i32, i32) {
    %c0_i32 = arith.constant 0 : i32
    %c0_i32_0 = arith.constant 0 : i32
    return %c0_i32, %arg0 : i32, i32
  }
  func.func @transform_1(%arg0: i32) -> (i32, i32) {
    %add3A = arith.constant 7 : i32
    %add3A_0 = arith.addi %arg0, %add3A : i32
    %c0_i32 = arith.constant 0 : i32
    %c0_i32_1 = arith.constant 0 : i32
    return %c0_i32, %add3A_0 : i32, i32
  }
  func.func @transform_2(%arg0: i32) -> (i32, i32) {
    %c0_i32 = arith.constant 0 : i32
    %c0_i32_0 = arith.constant 0 : i32
    return %c0_i32, %arg0 : i32, i32
  }
  func.func @transform_3(%arg0: i32) -> (i32, i32) {
    %add3A = arith.constant 7 : i32
    %add3A_0 = arith.addi %arg0, %add3A : i32
    %c0_i32 = arith.constant 0 : i32
    %c0_i32_1 = arith.constant 0 : i32
    return %c0_i32, %add3A_0 : i32, i32
  }
  func.func @transform_4(%arg0: i32) -> (i32, i32) {
    %c0_i32 = arith.constant 0 : i32
    %c0_i32_0 = arith.constant 0 : i32
    return %arg0, %c0_i32 : i32, i32
  }
}

module attributes {stable_mosaic.version = 14 : i64} {
  func.func @body(%arg0: i32, %arg1: memref<4096x128xf32, #tpu.memory_space<vmem>>, %arg2: memref<4096x128xf32, #tpu.memory_space<vmem>>, %arg3: memref<4096x1xbf16, #tpu.memory_space<vmem>>, %arg4: memref<64x128xf32, #tpu.memory_space<vmem>>, %arg5: memref<64x128xf32, #tpu.memory_space<vmem>>, %arg6: memref<1x128xf32, #tpu.memory_space<vmem>>, %arg7: memref<128x64xf32, #tpu.memory_space<vmem>>, %arg8: memref<1x64xf32, #tpu.memory_space<vmem>>, %arg9: memref<1x64xf32, #tpu.memory_space<vmem>>, %arg10: memref<1x64xf32, #tpu.memory_space<vmem>>, %arg11: memref<1x1xf32, #tpu.memory_space<vmem>>, %arg12: memref<32x128xf32, #tpu.memory_space<vmem>>) attributes {dimension_semantics = [#tpu.dimension_semantics<arbitrary>], iteration_bounds = array<i64: 4>, scalar_prefetch = 0 : i64, scratch_operands = 0 : i64, tpu.core_type = #tpu.core_type<tc>, window_params = [{transform_indices = @transform_0, window_bounds = array<i64: 4096, 128>}, {transform_indices = @transform_1, window_bounds = array<i64: 4096, 128>}, {transform_indices = @transform_2, window_bounds = array<i64: 4096, 1>}, {pipeline_mode = #tpu.pipeline_mode<synchronous>, transform_indices = @transform_3, window_bounds = array<i64: 64, 128>}, {pipeline_mode = #tpu.pipeline_mode<synchronous>, transform_indices = @transform_4, window_bounds = array<i64: 64, 128>}, {pipeline_mode = #tpu.pipeline_mode<synchronous>, transform_indices = @transform_5, window_bounds = array<i64: 1, 128>}, {pipeline_mode = #tpu.pipeline_mode<synchronous>, transform_indices = @transform_6, window_bounds = array<i64: 128, 64>}, {pipeline_mode = #tpu.pipeline_mode<synchronous>, transform_indices = @transform_7, window_bounds = array<i64: 1, 64>}, {pipeline_mode = #tpu.pipeline_mode<synchronous>, transform_indices = @transform_8, window_bounds = array<i64: 1, 64>}, {pipeline_mode = #tpu.pipeline_mode<synchronous>, transform_indices = @transform_9, window_bounds = array<i64: 1, 64>}, {pipeline_mode = #tpu.pipeline_mode<synchronous>, transform_indices = @transform_10, window_bounds = array<i64: 1, 1>}, {transform_indices = @transform_11, window_bounds = array<i64: 32, 128>}]} {
    %get3A = arith.constant 0 : index
    %get3A_0 = arith.constant 0 : index
    %get3A_1 = vector.load %arg3[%get3A, %get3A_0] : memref<4096x1xbf16, #tpu.memory_space<vmem>>, vector<4096x1xbf16>
    %eq3A = arith.constant 1.000000e+00 : bf16
    %eq3A_2 = vector.broadcast %eq3A : bf16 to vector<4096x1xbf16>
    %eq3A_3 = arith.cmpf oeq, %get3A_1, %eq3A_2 : vector<4096x1xbf16>
    %eq3A_4 = arith.constant 3.000000e+00 : bf16
    %eq3A_5 = vector.broadcast %eq3A_4 : bf16 to vector<4096x1xbf16>
    %eq3A_6 = arith.cmpf oeq, %get3A_1, %eq3A_5 : vector<4096x1xbf16>
    %or3A = arith.ori %eq3A_3, %eq3A_6 : vector<4096x1xi1>
    %get3A_7 = arith.constant 0 : index
    %get3A_8 = arith.constant 0 : index
    %get3A_9 = vector.load %arg1[%get3A_7, %get3A_8] : memref<4096x128xf32, #tpu.memory_space<vmem>>, vector<4096x128xf32>
    %slice3A = vector.extract_strided_slice %get3A_9 {offsets = [0, 64], sizes = [4096, 64], strides = [1, 1]} : vector<4096x128xf32> to vector<4096x64xf32>
    %slice3A_10 = vector.extract_strided_slice %get3A_9 {offsets = [0, 0], sizes = [4096, 64], strides = [1, 1]} : vector<4096x128xf32> to vector<4096x64xf32>
    %broadcast_in_dim3A = vector.shape_cast %or3A : vector<4096x1xi1> to vector<4096x1xi1>
    %broadcast_in_dim3A_11 = vector.broadcast %broadcast_in_dim3A : vector<4096x1xi1> to vector<4096x64xi1>
    %select_n3A = arith.select %broadcast_in_dim3A_11, %slice3A, %slice3A_10 : vector<4096x64xi1>, vector<4096x64xf32>
    %bitcast_convert_type3A = tpu.bitcast %select_n3A : vector<4096x64xf32> -> vector<4096x64xi32>
    %shift_left3A = arith.constant 16 : i32
    %shift_left3A_12 = vector.broadcast %shift_left3A : i32 to vector<4096x64xi32>
    %shift_left3A_13 = arith.shli %bitcast_convert_type3A, %shift_left3A_12 : vector<4096x64xi32>
    %bitcast_convert_type3A_14 = tpu.bitcast %shift_left3A_13 : vector<4096x64xi32> -> vector<4096x64xf32>
    %and3A = arith.constant -65536 : i32
    %and3A_15 = vector.broadcast %and3A : i32 to vector<4096x64xi32>
    %and3A_16 = arith.andi %bitcast_convert_type3A, %and3A_15 : vector<4096x64xi32>
    %bitcast_convert_type3A_17 = tpu.bitcast %and3A_16 : vector<4096x64xi32> -> vector<4096x64xf32>
    %ge3A = arith.constant 2.000000e+00 : bf16
    %ge3A_18 = vector.broadcast %ge3A : bf16 to vector<4096x1xbf16>
    %ge3A_19 = arith.cmpf oge, %get3A_1, %ge3A_18 : vector<4096x1xbf16>
    %get3A_20 = arith.constant 0 : index
    %get3A_21 = arith.constant 0 : index
    %get3A_22 = vector.load %arg2[%get3A_20, %get3A_21] : memref<4096x128xf32, #tpu.memory_space<vmem>>, vector<4096x128xf32>
    %slice3A_23 = vector.extract_strided_slice %get3A_22 {offsets = [0, 64], sizes = [4096, 64], strides = [1, 1]} : vector<4096x128xf32> to vector<4096x64xf32>
    %slice3A_24 = vector.extract_strided_slice %get3A_22 {offsets = [0, 0], sizes = [4096, 64], strides = [1, 1]} : vector<4096x128xf32> to vector<4096x64xf32>
    %broadcast_in_dim3A_25 = vector.shape_cast %ge3A_19 : vector<4096x1xi1> to vector<4096x1xi1>
    %broadcast_in_dim3A_26 = vector.broadcast %broadcast_in_dim3A_25 : vector<4096x1xi1> to vector<4096x64xi1>
    %select_n3A_27 = arith.select %broadcast_in_dim3A_26, %slice3A_23, %slice3A_24 : vector<4096x64xi1>, vector<4096x64xf32>
    %bitcast_convert_type3A_28 = tpu.bitcast %select_n3A_27 : vector<4096x64xf32> -> vector<4096x64xi32>
    %shift_left3A_29 = arith.constant 16 : i32
    %shift_left3A_30 = vector.broadcast %shift_left3A_29 : i32 to vector<4096x64xi32>
    %shift_left3A_31 = arith.shli %bitcast_convert_type3A_28, %shift_left3A_30 : vector<4096x64xi32>
    %bitcast_convert_type3A_32 = tpu.bitcast %shift_left3A_31 : vector<4096x64xi32> -> vector<4096x64xf32>
    %and3A_33 = arith.constant -65536 : i32
    %and3A_34 = vector.broadcast %and3A_33 : i32 to vector<4096x64xi32>
    %and3A_35 = arith.andi %bitcast_convert_type3A_28, %and3A_34 : vector<4096x64xi32>
    %bitcast_convert_type3A_36 = tpu.bitcast %and3A_35 : vector<4096x64xi32> -> vector<4096x64xf32>
    %mul3A = arith.mulf %bitcast_convert_type3A_14, %bitcast_convert_type3A_32 : vector<4096x64xf32>
    %reshape3A = vector.shape_cast %mul3A : vector<4096x64xf32> to vector<32x128x64xf32>
    %get3A_37 = arith.constant 0 : index
    %get3A_38 = arith.constant 0 : index
    %get3A_39 = vector.load %arg9[%get3A_37, %get3A_38] : memref<1x64xf32, #tpu.memory_space<vmem>>, vector<1x64xf32>
    %reshape3A_40 = vector.shape_cast %get3A_39 : vector<1x64xf32> to vector<1x1x64xf32>
    %mul3A_41 = vector.broadcast %reshape3A_40 : vector<1x1x64xf32> to vector<32x128x64xf32>
    %mul3A_42 = arith.mulf %reshape3A, %mul3A_41 : vector<32x128x64xf32>
    %reduce_sum3A = arith.constant dense<0.000000e+00> : vector<32x128xf32>
    %reduce_sum3A_43 = vector.multi_reduction <add>, %mul3A_42, %reduce_sum3A [2] : vector<32x128x64xf32> to vector<32x128xf32>
    %get3A_44 = arith.constant 0 : index
    %get3A_45 = arith.constant 0 : index
    %get3A_46 = vector.load %arg4[%get3A_44, %get3A_45] : memref<64x128xf32, #tpu.memory_space<vmem>>, vector<64x128xf32>
    %dot_general3A = arith.constant dense<0.000000e+00> : vector<4096x128xf32>
    %dot_general3A_47 = tpu.matmul %bitcast_convert_type3A_17, %get3A_46, %dot_general3A {dimension_numbers = #tpu.dot_dimension_numbers<[1], [0], [0], [1], [0, 0, 1, 1], [], []>, transpose_lhs_hint = false} : vector<4096x64xf32>, vector<64x128xf32>, vector<4096x128xf32> -> vector<4096x128xf32>
    %get3A_48 = arith.constant 0 : index
    %get3A_49 = arith.constant 0 : index
    %get3A_50 = vector.load %arg5[%get3A_48, %get3A_49] : memref<64x128xf32, #tpu.memory_space<vmem>>, vector<64x128xf32>
    %dot_general3A_51 = arith.constant dense<0.000000e+00> : vector<4096x128xf32>
    %dot_general3A_52 = tpu.matmul %bitcast_convert_type3A_36, %get3A_50, %dot_general3A_51 {dimension_numbers = #tpu.dot_dimension_numbers<[1], [0], [0], [1], [0, 0, 1, 1], [], []>, transpose_lhs_hint = false} : vector<4096x64xf32>, vector<64x128xf32>, vector<4096x128xf32> -> vector<4096x128xf32>
    %add3A = arith.addf %dot_general3A_47, %dot_general3A_52 : vector<4096x128xf32>
    %get3A_53 = arith.constant 0 : index
    %get3A_54 = arith.constant 0 : index
    %get3A_55 = vector.load %arg6[%get3A_53, %get3A_54] : memref<1x128xf32, #tpu.memory_space<vmem>>, vector<1x128xf32>
    %add3A_56 = vector.broadcast %get3A_55 : vector<1x128xf32> to vector<4096x128xf32>
    %add3A_57 = arith.addf %add3A, %add3A_56 : vector<4096x128xf32>
    %max3A = arith.constant 0.000000e+00 : f32
    %max3A_58 = vector.broadcast %max3A : f32 to vector<4096x128xf32>
    %max3A_59 = arith.maximumf %add3A_57, %max3A_58 : vector<4096x128xf32>
    %get3A_60 = arith.constant 0 : index
    %get3A_61 = arith.constant 0 : index
    %get3A_62 = vector.load %arg7[%get3A_60, %get3A_61] : memref<128x64xf32, #tpu.memory_space<vmem>>, vector<128x64xf32>
    %dot_general3A_63 = arith.constant dense<0.000000e+00> : vector<4096x64xf32>
    %dot_general3A_64 = tpu.matmul %max3A_59, %get3A_62, %dot_general3A_63 {dimension_numbers = #tpu.dot_dimension_numbers<[1], [0], [0], [1], [0, 0, 1, 1], [], []>, transpose_lhs_hint = false} : vector<4096x128xf32>, vector<128x64xf32>, vector<4096x64xf32> -> vector<4096x64xf32>
    %get3A_65 = arith.constant 0 : index
    %get3A_66 = arith.constant 0 : index
    %get3A_67 = vector.load %arg8[%get3A_65, %get3A_66] : memref<1x64xf32, #tpu.memory_space<vmem>>, vector<1x64xf32>
    %add3A_68 = vector.broadcast %get3A_67 : vector<1x64xf32> to vector<4096x64xf32>
    %add3A_69 = arith.addf %dot_general3A_64, %add3A_68 : vector<4096x64xf32>
    %max3A_70 = arith.constant 0.000000e+00 : f32
    %max3A_71 = vector.broadcast %max3A_70 : f32 to vector<4096x64xf32>
    %max3A_72 = arith.maximumf %add3A_69, %max3A_71 : vector<4096x64xf32>
    %reshape3A_73 = vector.shape_cast %max3A_72 : vector<4096x64xf32> to vector<32x128x64xf32>
    %get3A_74 = arith.constant 0 : index
    %get3A_75 = arith.constant 0 : index
    %get3A_76 = vector.load %arg10[%get3A_74, %get3A_75] : memref<1x64xf32, #tpu.memory_space<vmem>>, vector<1x64xf32>
    %reshape3A_77 = vector.shape_cast %get3A_76 : vector<1x64xf32> to vector<1x1x64xf32>
    %mul3A_78 = vector.broadcast %reshape3A_77 : vector<1x1x64xf32> to vector<32x128x64xf32>
    %mul3A_79 = arith.mulf %reshape3A_73, %mul3A_78 : vector<32x128x64xf32>
    %reduce_sum3A_80 = arith.constant dense<0.000000e+00> : vector<32x128xf32>
    %reduce_sum3A_81 = vector.multi_reduction <add>, %mul3A_79, %reduce_sum3A_80 [2] : vector<32x128x64xf32> to vector<32x128xf32>
    %add3A_82 = arith.addf %reduce_sum3A_43, %reduce_sum3A_81 : vector<32x128xf32>
    %get3A_83 = arith.constant 0 : index
    %get3A_84 = arith.constant 0 : index
    %get3A_85 = vector.load %arg11[%get3A_83, %get3A_84] : memref<1x1xf32, #tpu.memory_space<vmem>>, vector<1x1xf32>
    %add3A_86 = vector.broadcast %get3A_85 : vector<1x1xf32> to vector<32x128xf32>
    %add3A_87 = arith.addf %add3A_82, %add3A_86 : vector<32x128xf32>
    %neg3A = arith.constant 0.000000e+00 : f32
    %neg3A_88 = vector.broadcast %neg3A : f32 to vector<32x128xf32>
    %neg3A_89 = arith.subf %neg3A_88, %add3A_87 : vector<32x128xf32>
    %exp3A = math.exp %neg3A_89 : vector<32x128xf32>
    %add3A_90 = arith.constant 1.000000e+00 : f32
    %add3A_91 = vector.broadcast %add3A_90 : f32 to vector<32x128xf32>
    %add3A_92 = arith.addf %add3A_91, %exp3A : vector<32x128xf32>
    %div3A = arith.constant 1.000000e+00 : f32
    %div3A_93 = vector.broadcast %div3A : f32 to vector<32x128xf32>
    %div3A_94 = arith.divf %div3A_93, %add3A_92 : vector<32x128xf32>
    %swap3A = arith.constant 0 : index
    %swap3A_95 = arith.constant 0 : index
    %swap3A_96 = vector.load %arg12[%swap3A, %swap3A_95] : memref<32x128xf32, #tpu.memory_space<vmem>>, vector<32x128xf32>
    tpu.vector_store %arg12[%swap3A, %swap3A_95], %div3A_94 {strides = array<i32>} : memref<32x128xf32, #tpu.memory_space<vmem>>, vector<32x128xf32>,
    return
  }
  func.func @transform_0(%arg0: i32) -> (i32, i32) {
    %c0_i32 = arith.constant 0 : i32
    %c0_i32_0 = arith.constant 0 : i32
    return %arg0, %c0_i32 : i32, i32
  }
  func.func @transform_1(%arg0: i32) -> (i32, i32) {
    %c0_i32 = arith.constant 0 : i32
    %c0_i32_0 = arith.constant 0 : i32
    return %arg0, %c0_i32 : i32, i32
  }
  func.func @transform_2(%arg0: i32) -> (i32, i32) {
    %c0_i32 = arith.constant 0 : i32
    %c0_i32_0 = arith.constant 0 : i32
    return %arg0, %c0_i32 : i32, i32
  }
  func.func @transform_3(%arg0: i32) -> (i32, i32) {
    %c0_i32 = arith.constant 0 : i32
    %c0_i32_0 = arith.constant 0 : i32
    %c0_i32_1 = arith.constant 0 : i32
    return %c0_i32, %c0_i32_0 : i32, i32
  }
  func.func @transform_4(%arg0: i32) -> (i32, i32) {
    %c0_i32 = arith.constant 0 : i32
    %c0_i32_0 = arith.constant 0 : i32
    %c0_i32_1 = arith.constant 0 : i32
    return %c0_i32, %c0_i32_0 : i32, i32
  }
  func.func @transform_5(%arg0: i32) -> (i32, i32) {
    %c0_i32 = arith.constant 0 : i32
    %c0_i32_0 = arith.constant 0 : i32
    %c0_i32_1 = arith.constant 0 : i32
    return %c0_i32, %c0_i32_0 : i32, i32
  }
  func.func @transform_6(%arg0: i32) -> (i32, i32) {
    %c0_i32 = arith.constant 0 : i32
    %c0_i32_0 = arith.constant 0 : i32
    %c0_i32_1 = arith.constant 0 : i32
    return %c0_i32, %c0_i32_0 : i32, i32
  }
  func.func @transform_7(%arg0: i32) -> (i32, i32) {
    %c0_i32 = arith.constant 0 : i32
    %c0_i32_0 = arith.constant 0 : i32
    %c0_i32_1 = arith.constant 0 : i32
    return %c0_i32, %c0_i32_0 : i32, i32
  }
  func.func @transform_8(%arg0: i32) -> (i32, i32) {
    %c0_i32 = arith.constant 0 : i32
    %c0_i32_0 = arith.constant 0 : i32
    %c0_i32_1 = arith.constant 0 : i32
    return %c0_i32, %c0_i32_0 : i32, i32
  }
  func.func @transform_9(%arg0: i32) -> (i32, i32) {
    %c0_i32 = arith.constant 0 : i32
    %c0_i32_0 = arith.constant 0 : i32
    %c0_i32_1 = arith.constant 0 : i32
    return %c0_i32, %c0_i32_0 : i32, i32
  }
  func.func @transform_10(%arg0: i32) -> (i32, i32) {
    %c0_i32 = arith.constant 0 : i32
    %c0_i32_0 = arith.constant 0 : i32
    %c0_i32_1 = arith.constant 0 : i32
    return %c0_i32, %c0_i32_0 : i32, i32
  }
  func.func @transform_11(%arg0: i32) -> (i32, i32) {
    %c0_i32 = arith.constant 0 : i32
    %c0_i32_0 = arith.constant 0 : i32
    return %arg0, %c0_i32 : i32, i32
  }
}

</mosaic_0001>

<sc_bundles>
// kernel: kernel.10.cloned.1.call-start
scs
__scs_entry_jumppad:
0x0: {  	(pc) =	sbr.rel $0x88, $3  }
0x1: {  	(tag) =	ssettag $0x0;
	lr =	simm.s32 $0x1  }
0x2: {  	[smem:$0x3F95] =	sst lr;
	_ =	strace $0xD0000000  }
0x3: {  	_ = 	snop  }
0x4: {  	_ = 	snop  }
0x5: {  	_ = 	snop  }
0x6: {  	_ = 	snop  }
0x7: {  	_ = 	snop  }
__scs_overlays_trampoline_lowered:
0x8: {  	[smem:$0x3FA4] =	sst s0  }
0x9: {  	[smem:$0x3FA5] =	sst s1  }
0xa: {  	[smem:$0x3FA6] =	sst s2  }
0xb: {  	[smem:$0x3FA7] =	sst s3  }
0xc: {  	[smem:$0x3FA8] =	sst s4  }
0xd: {  	[smem:$0x3FA9] =	sst s5  }
0xe: {  	[smem:$0x3FAA] =	sst s6  }
0xf: {  	[smem:$0x3FAB] =	sst s7  }
0x10: {  	[smem:$0x3FAC] =	sst s8  }
0x11: {  	[smem:$0x3FAD] =	sst s9;
	s0 =	simm.s32 @!p0 $0x0  }
0x12: {  	s1 =	sld [smem:$0x3F93];
	s0 =	simm.s32 @p0 $0x1  }
0x13: {  	[smem:$0x3FAE] =	sst s0;
	s0 =	simm.s32 @!p1 $0x0  }
0x14: {  	s2 =	sld [smem:$0x3F92];
	s0 =	simm.s32 @p1 $0x1  }
0x15: {  	[smem:$0x3FAF] =	sst s0;
	s0 =	simm.s32 @!p2 $0x0  }
0x16: {  	s3 =	sld [smem:$0x3FDB];
	s0 =	simm.s32 @p2 $0x1  }
0x17: {  	s4 =	simm.s32 $0x1BF5;
	[smem:$0x3FB1] =	sst s0  }
0x18: {  	s0 =	sld [smem:$0x3F94];
	_ =	swait.ge [sflag:s4], $0x0  }
0x19: {  	s7 =	sld [smem:$0x3F95]  }
0x1a: {  	s8 =	sadd.s32 $0xFFFFE003, lr  }
0x1b: {  	s9 =	sadd.s32 $0xFFFFFEF7, lr;
	s5 =	simm.s32 $0xFFFFFFFF;
	p2 =	slt.u32 s8, $0xFFFFF086  }
0x1c: {  	p1 =	slt.u32 s9, $0xF7A;
	s5 =	simm.s32 @!p2 $0x0  }
0x1d: {  	s5 =	simm.s32 @p1 $0x1;
	p0 =	seq.s32 s7, s2  }
0x1e: {  	s7 =	smul.u32 @!p0 $0xF7A, s2;
	p2 =	seq.s32 @!p0 s5, $0x0  }
0x1f: {  	s9 =	smul.u32 $0xF7A, s1;
	s8 =	simm.s32 @!p0 $0x1BF5;
	p2 =	por !p2, p0  }
0x20: {  	[sflag:s8] =	ssyncset.s32 @!p0 $0xFFFFF086;
	s6 =	sadd.s32 @!p0 s3, s7;
	s7 =	simm.s32 @!p0 $0x108  }
0x21: {  	s3 =	sadd.s32 s3, s9;
	s6 =	sadd.s32 @!p0 $0x88, s6;
	s7 =	simm.s32 @p2 $0x1082  }
0x22: {  	[simem:s7], [sflag:s8] =	dma.local @!p0 [hbm:s6], $0xF7A  }
0x23: {  	s9 =	sor.u32 $0xD0000000, s2;
	s6 =	simm.s32 $0x108;
	_ =	swait.ge @!p0 [sflag:s8], $0x0  }
0x24: {  	s3 =	sadd.s32 $0x88, s3;
	s6 =	simm.s32 @!p1 $0x1082;
	[sflag:s4] =	ssyncset.s32 $0xFFFFF086  }
0x25: {  	[simem:s6], [sflag:s4] =	dma.local [hbm:s3], $0xF7A  }
0x26: {  	[smem:$0x3F95] =	sst s1;
	(tag) =	ssettag s2;
	_ =	strace s9  }
0x27: {  	s1 =	sld [smem:$0x3FA5]  }
0x28: {  	s2 =	sld [smem:$0x3FA6]  }
0x29: {  	s4 =	sld [smem:$0x3FA8]  }
0x2a: {  	p0 =	seq.s32 s5, $0x0;
	s5 =	sld [smem:$0x3FA9]  }
0x2b: {  	s6 =	sld [smem:$0x3FAA]  }
0x2c: {  	s7 =	sld [smem:$0x3FAB]  }
0x2d: {  	s3 =	simm.s32 $0x108;
	s8 =	sld [smem:$0x3FAC]  }
0x2e: {  	s3 =	simm.s32 @!p0 $0x1082;
	s9 =	sld [smem:$0x3FAD]  }
0x2f: {  	lr =	sadd.s32 s0, s3;
	s0 =	sld [smem:$0x3FA4]  }
0x30: {  	s3 =	sld [smem:$0x3FA7]  }
0x31: {  	[smem:$0x3FB0] =	sst s10  }
0x32: {  	s10 =	sld [smem:$0x3FAE];
	_ =	sdelay $0x3  }
0x33: {  	p0 =	seq.s32 s10, $0x1;
	s10 =	sld [smem:$0x3FB0];
	_ =	sdelay $0x3  }
0x34: {  	[smem:$0x3FB0] =	sst s10  }
0x35: {  	s10 =	sld [smem:$0x3FAF];
	_ =	sdelay $0x3  }
0x36: {  	p1 =	seq.s32 s10, $0x1;
	s10 =	sld [smem:$0x3FB0];
	_ =	sdelay $0x3  }
0x37: {  	[smem:$0x3FB0] =	sst s10  }
0x38: {  	s10 =	sld [smem:$0x3FB1]  }
0x39: {  	_ = 	snop;
	(pc) =	sbr.ind lr, $3  }
0x3a: {  	_ = 	snop  }
0x3b: {  	_ = 	snop  }
0x3c: {  	p2 =	seq.s32 s10, $0x1;
	s10 =	sld [smem:$0x3FB0]  }
0x3d: {  	_ =	shalt  }
0x3e: {  	_ =	shalt  }
0x3f: {  	_ =	shalt  }
0x40: {  	_ =	shalt  }
0x41: {  	_ =	shalt  }
0x42: {  	_ =	shalt  }
0x43: {  	_ =	shalt  }
0x44: {  	_ =	shalt  }
0x45: {  	_ =	shalt  }
0x46: {  	_ =	shalt  }
0x47: {  	_ =	shalt  }
0x48: {  	_ =	shalt  }
0x49: {  	_ =	shalt  }
0x4a: {  	_ =	shalt  }
0x4b: {  	_ =	shalt  }
0x4c: {  	_ =	shalt  }
0x4d: {  	_ =	shalt  }
0x4e: {  	_ =	shalt  }
0x4f: {  	_ =	shalt  }
0x50: {  	_ =	shalt  }
0x51: {  	_ =	shalt  }
0x52: {  	_ =	shalt  }
0x53: {  	_ =	shalt  }
0x54: {  	_ =	shalt  }
0x55: {  	_ =	shalt  }
0x56: {  	_ =	shalt  }
0x57: {  	_ =	shalt  }
0x58: {  	_ =	shalt  }
0x59: {  	_ =	shalt  }
0x5a: {  	_ =	shalt  }
0x5b: {  	_ =	shalt  }
0x5c: {  	_ =	shalt  }
0x5d: {  	_ =	shalt  }
0x5e: {  	_ =	shalt  }
0x5f: {  	_ =	shalt  }
0x60: {  	_ =	shalt  }
0x61: {  	_ =	shalt  }
0x62: {  	_ =	shalt  }
0x63: {  	_ =	shalt  }
0x64: {  	_ =	shalt  }
0x65: {  	_ =	shalt  }
0x66: {  	_ =	shalt  }
0x67: {  	_ =	shalt  }
0x68: {  	_ =	shalt  }
0x69: {  	_ =	shalt  }
0x6a: {  	_ =	shalt  }
0x6b: {  	_ =	shalt  }
0x6c: {  	_ =	shalt  }
0x6d: {  	_ =	shalt  }
0x6e: {  	_ =	shalt  }
0x6f: {  	_ =	shalt  }
0x70: {  	_ =	shalt  }
0x71: {  	_ =	shalt  }
0x72: {  	_ =	shalt  }
0x73: {  	_ =	shalt  }
0x74: {  	_ =	shalt  }
0x75: {  	_ =	shalt  }
0x76: {  	_ =	shalt  }
0x77: {  	_ =	shalt  }
0x78: {  	_ =	shalt  }
0x79: {  	_ =	shalt  }
0x7a: {  	_ =	shalt  }
0x7b: {  	_ =	shalt  }
0x7c: {  	_ =	shalt  }
0x7d: {  	_ =	shalt  }
0x7e: {  	_ =	shalt  }
0x7f: {  	_ =	shalt  }
0x80: {  	_ =	shalt  }
0x81: {  	_ =	shalt  }
0x82: {  	_ =	shalt  }
0x83: {  	_ =	shalt  }
0x84: {  	_ =	shalt  }
0x85: {  	_ =	shalt  }
0x86: {  	_ =	shalt  }
0x87: {  	_ =	shalt  }
.Lfunc_end0:
.L_simem_size_0:
called_computation.1_lowered:
.L_overlay_start_0:
0x88: {  	s2 =	sld [smem:$0x3FD9]  }
0x89: {  	s3 =	sld [smem:$0x3FFE];
	_ =	sdelay $0x1  }
0x8a: {  	s1 =	srdreg.scid  }
0x8b: {  	s0 =	sand.u32 $0x1, s1  }
0x8c: {  	s17 =	sshll.u32 s0, $0xA;
	s2 =	sadd.s32 s3, s2  }
0x8d: {  	s2 =	sadd.s32 s2, s17  }
0x8e: {  	[smem:$0x3FBC] =	sst s2  }
0x8f: {  	_ = 	snop  }
0x90: {  	s2 =	sld [smem:$0x3FD0];
	(tm) =	ssettm $0x1  }
0x91: {  	s18 =	sld [smem:$0x3FFB];
	_ =	sdelay $0x3  }
0x92: {  	_ =	strace s18  }
0x93: {  	s3 =	sld [smem:$0x3FFC];
	_ =	sdelay $0x3  }
0x94: {  	_ =	strace s3  }
0x95: {  	s3 =	sld [smem:$0x3FFD];
	_ =	sdelay $0x3  }
0x96: {  	_ =	strace s3  }
0x97: {  	_ =	strace $0x8FFFFFFF  }
0x98: {  	s19 =	sld [smem:$0x3FDB];
	_ =	sdelay $0x1  }
0x99: {  	s4 =	simm.s32 $_scs_section_size  }
0x9a: {  	s5 =	simm.s32 $_size__tile_overlayer_lowered;
	s6 =	simm.s32 $_tile_overlayer_lowered  }
0x9b: {  	s22 =	simm.s32 $0x1BFF;
	s21 =	sshll.u32 s6, $0x1;
	s3 =	sadd.s32 s4, s19  }
0x9c: {  	s7 =	simm.s32 $0x0;
	s20 =	sshll.u32 s5, $0x1;
	s5 =	sadd.s32 s21, s3  }
0x9d: {  	[timem:s7], [sflag:s22] =	dma.local [hbm:s5], s20  }
0x9e: {  	_ =	swait.ge [sflag:s22], s20  }
0x9f: {  	s4 =	ssub.s32 $0x0, s20;
	[sflag:s22] =	ssyncset.done $0x0  }
0xa0: {  	[sflag:s22] =	ssyncadd.s32 s4;
	_ =	sdelay $0x1  }
0xa1: {  	s23 =	simm.s32 $0x1B8B  }
0xa2: {  	_ =	swait.ge [sflag:s23], $0x1  }
0xa3: {  	[sflag:s23] =	ssyncset.done $0x0  }
0xa4: {  	s25 =	simm.s32 $0x1B8E;
	s24 =	sld [smem:$0x3FFE];
	[sflag:s23] =	ssyncadd.s32 $0xFFFFFFFF  }
0xa5: {  	s26 =	simm.s32 $execute0_lowered;
	[smem:$0x3FD2] =	sst s25  }
0xa6: {  	s5 =	sshll.u32 s26, $0x1;
	_ =	strace $0x80000046;
	[dreg:$0x1] =	wrdreg $0xFFFFFFFF  }
0xa7: {  	s28 =	simm.s32 $_size_execute0_lowered;
	s3 =	sadd.s32 s3, s5;
	[dreg:$0x0] =	wrdreg $0x0  }
0xa8: {  	s5 =	sshll.u32 s28, $0x1;
	[dreg:$0x2] =	wrdreg s3  }
0xa9: {  	[dreg:$0x3] =	wrdreg s5  }
0xaa: {  	[dreg:$0x4] =	wrdreg $0xC0  }
0xab: {  	_ =	task [dreg:s7], $0x5FFFF  }
0xac: {  	[dreg:$0x1] =	wrdreg $0xFFFFFFFF  }
0xad: {  	[dreg:$0x0] =	wrdreg $0x60  }
0xae: {  	[dreg:$0x2] =	wrdreg s2  }
0xaf: {  	[dreg:$0x3] =	wrdreg s24  }
0xb0: {  	[dreg:$0x4] =	wrdreg $0xA  }
0xb1: {  	_ =	task.clear_ibuf [dreg:s7], $0x5FFFF;
	_ =	strace $0x90000046  }
0xb2: {  	s29 =	simm.s32 $0xA;
	_ =	strace $0x80000048  }
0xb3: {  	_ =	swait.ge [sflag:s29], $0x1  }
0xb4: {  	[sflag:s29] =	ssyncadd.s32 $0xFFFFFFFF  }
0xb5: {  	_ =	strace $0x90000048  }
0xb6: {  	_ =	sfence  }
0xb7: {  	s30 =	sld [smem:$0x0];
	_ =	sdelay $0x2  }
0xb8: {  	s31 =	sshll.u32 s1, $0xD;
	s1 =	sshrl.u32 s1, $0x2  }
0xb9: {  	s3 =	sand.u32 $0x4000, s31;
	s1 =	sadd.s32 s1, s30  }
0xba: {  	s0 =	sor.u32 s3, s0;
	s1 =	sshll.u32 s1, $0x11  }
0xbb: {  	s0 =	sor.u32 s1, s0  }
0xbc: {  	s0 =	sadd.s32 $0x8F2B, s0  }
0xbd: {  	[sflag:s0] =	ssyncadd.remote.s32 $0x1  }
0xbe: {  	_ =	sfence.sel $0xFFFF  }
0xbf: {  	[dreg:$0x0] =	wrdreg $0xFFFFFFFF;
	(pc) =	sbr.abs _section_cstart, $3  }
0xc0: {  	[dreg:$0x1] =	wrdreg $0xFFFFFFFF  }
0xc1: {  	_ =	task.clear_ibuf [dreg:s7], $0x2FFFF;
	_ =	strace $0x9FFFFFFF  }
0xc2: {  	(tm) =	ssettm $0x7FFFFFFF  }
0xc3: {  	_ =	shalt  }
tec
execute0_lowered:
.L_overlay_start_1:
0x0: {  	(tag) =	ssettag $0x1  }
0x1: {  	s1 =	srdreg.scid  }
0x2: {  	s3 =	rddreg [dreg:$0x0];
	s0 =	stileid.u32;
	s18 =	sand.u32 $0x1, s1  }
0x3: {  	s10 =	rddreg [dreg:$0x1];
	s4 =	sshll.u32 s0, $0xA;
	s5 =	sshll.u32 s18, $0x9  }
0x4: {  	s2 =	simm.s32 $0x0;
	s1 =	rddreg [dreg:$0x2];
	s11 =	sor.u32 s5, s4  }
0x5: {  	[smem:$0x7FF] =	sst s2;
	s4 =	sshrl.u32 s11, $0x3  }
0x6: {  	_ =	strace $0x80000047;
	s3 =	sadd.s32 s3, s4;
	s4 =	simm.s32 $0x5  }
0x7: {  	[tilespmem:s2], [sflag:$0x5] =	stream.linear.gather [hbm4b:s3+s2], $0x200, $0x38;
	[tilespmem:$0x8200] =	vst v63  }
0x8: {  	_ =	swait.ge [sflag:s4], $0x200  }
0x9: {  	s6 =	simm.s32 $0x80;
	[sflag:s4] =	ssyncset.done $0x0  }
0xa: {  	s7 =	simm.s32 $0x200;
	s5 =	sadd.s32 $0x2400, s10;
	[sflag:s4] =	ssyncadd.s32 $0xFFFFFE00  }
0xb: {  	[tilespmem:s7], [sflag:$0x1] =	stream.indirect.gather [hbm4b:s5+s6], $0x80, s2, s6, $0xb8;
	[tilespmem:$0x8200] =	vst v63  }
0xc: {  	s8 =	simm.s32 $0x4200;
	s9 =	simm.s32 $0x1  }
0xd: {  	[tilespmem:s8], [sflag:$0x2] =	stream.indirect.gather [hbm4b:s5+s6], $0x80, s6, s6, $0xb8;
	[tilespmem:$0x8200] =	vst v63  }
0xe: {  	s11 =	sshll.u32 s11, $0x4;
	_ =	swait.ge [sflag:s9], $0x4000  }
0xf: {  	s19 =	sadd.s32 s11, s10;
	[sflag:s9] =	ssyncset.done $0x0  }
0x10: {  	s11 =	simm.s32 $0x3;
	s10 =	sadd.s32 $0xC6400, s19;
	[sflag:s9] =	ssyncadd.s32 $0xFFFFC000  }
0x11: {  	[hbm4b:s10+s2] =	stream.linear.scatter [tilespmem:s7], [sflag:$0x3], $0x4000, $0x38;
	[tilespmem:$0x8200] =	vst v63  }
0x12: {  	_ =	swait.ge [sflag:s11], $0x4000  }
0x13: {  	[sflag:s11] =	ssyncset.done $0x0  }
0x14: {  	s12 =	simm.s32 $0x100;
	s13 =	simm.s32 $0x2;
	[sflag:s11] =	ssyncadd.s32 $0xFFFFC000  }
0x15: {  	[tilespmem:s7], [sflag:$0x1] =	stream.indirect.gather [hbm4b:s5+s6], $0x80, s12, s6, $0xb8;
	[tilespmem:$0x8200] =	vst v63  }
0x16: {  	_ =	swait.ge [sflag:s13], $0x4000  }
0x17: {  	[sflag:s13] =	ssyncset.done $0x0  }
0x18: {  	s14 =	simm.s32 $0x4;
	s15 =	sadd.s32 $0xC6C00, s19;
	[sflag:s13] =	ssyncadd.s32 $0xFFFFC000  }
0x19: {  	[hbm4b:s15+s2] =	stream.linear.scatter [tilespmem:s8], [sflag:$0x4], $0x4000, $0x38;
	[tilespmem:$0x8200] =	vst v63  }
0x1a: {  	_ =	swait.ge [sflag:s14], $0x4000  }
0x1b: {  	[sflag:s14] =	ssyncset.done $0x0  }
0x1c: {  	s16 =	simm.s32 $0x180;
	[sflag:s14] =	ssyncadd.s32 $0xFFFFC000  }
0x1d: {  	[tilespmem:s8], [sflag:$0x2] =	stream.indirect.gather [hbm4b:s5+s6], $0x80, s16, s6, $0xb8;
	[tilespmem:$0x8200] =	vst v63  }
0x1e: {  	_ =	swait.ge [sflag:s9], $0x4000  }
0x1f: {  	s20 =	ssub.s32 $0x2, s18;
	[sflag:s9] =	ssyncset.done $0x0  }
0x20: {  	s31 =	sshrl.u32 s20, $0x1;
	s17 =	sadd.s32 $0xC7400, s19;
	[sflag:s9] =	ssyncadd.s32 $0xFFFFC000  }
0x21: {  	[hbm4b:s17+s2] =	stream.linear.scatter [tilespmem:s7], [sflag:$0x3], $0x4000, $0x38;
	[tilespmem:$0x8200] =	vst v63  }
0x22: {  	s18 =	sadd.s32 $0xC7C00, s19;
	s19 =	ssub.s32 s20, s31;
	_ =	swait.ge [sflag:s13], $0x4000  }
0x23: {  	s19 =	smax.u32 s19, $0x1;
	[sflag:s13] =	ssyncset.done $0x0  }
0x24: {  	p0 =	sne.s32 s19, $0x1;
	[sflag:s13] =	ssyncadd.s32 $0xFFFFC000  }
0x25: {  	[hbm4b:s18+s2] =	stream.linear.scatter [tilespmem:s8], [sflag:$0x4], $0x4000, $0x38;
	[tilespmem:$0x8200] =	vst v63  }
.Ltmp0:
0x26: {  	_ =	swait.ge [sflag:s11], $0x4000;
	(pc) =	sbr.rel @!p0 .LBB2_2-.Ltmp0, $4  }
0x27: {  	[sflag:s11] =	ssyncset.done $0x0  }
0x28: {  	[sflag:s11] =	ssyncadd.s32 $0xFFFFC000  }
0x29: {  	_ =	swait.ge [sflag:s14], $0x4000  }
0x2a: {  	s19 =	sadd.s32 $0xFFFFFFFF, s19;
	[sflag:s14] =	ssyncset.done $0x0  }
.LBB2_1:
0x2b: {  	p0 =	sne.s32 s19, $0x1;
	s19 =	sadd.s32 $0xFFFFFFFF, s19;
	[sflag:s14] =	ssyncadd.s32 $0xFFFFC000  }
0x2c: {  	[tilespmem:s2], [sflag:$0x5] =	stream.linear.gather [hbm4b:s3+s2], $0x200, $0x38;
	[tilespmem:$0x8200] =	vst v63  }
0x2d: {  	_ =	swait.ge [sflag:s4], $0x200  }
0x2e: {  	[sflag:s4] =	ssyncset.done $0x0  }
0x2f: {  	[sflag:s4] =	ssyncadd.s32 $0xFFFFFE00  }
0x30: {  	[tilespmem:s7], [sflag:$0x1] =	stream.indirect.gather [hbm4b:s5+s6], $0x80, s2, s6, $0xb8;
	[tilespmem:$0x8200] =	vst v63  }
0x31: {  	_ = 	snop  }
0x32: {  	[tilespmem:s8], [sflag:$0x2] =	stream.indirect.gather [hbm4b:s5+s6], $0x80, s6, s6, $0xb8;
	[tilespmem:$0x8200] =	vst v63  }
0x33: {  	_ =	swait.ge [sflag:s9], $0x4000  }
0x34: {  	[sflag:s9] =	ssyncset.done $0x0  }
0x35: {  	[sflag:s9] =	ssyncadd.s32 $0xFFFFC000  }
0x36: {  	[hbm4b:s10+s2] =	stream.linear.scatter [tilespmem:s7], [sflag:$0x3], $0x4000, $0x38;
	[tilespmem:$0x8200] =	vst v63  }
0x37: {  	_ =	swait.ge [sflag:s11], $0x4000  }
0x38: {  	[sflag:s11] =	ssyncset.done $0x0  }
0x39: {  	[sflag:s11] =	ssyncadd.s32 $0xFFFFC000  }
0x3a: {  	[tilespmem:s7], [sflag:$0x1] =	stream.indirect.gather [hbm4b:s5+s6], $0x80, s12, s6, $0xb8;
	[tilespmem:$0x8200] =	vst v63  }
0x3b: {  	_ =	swait.ge [sflag:s13], $0x4000  }
0x3c: {  	[sflag:s13] =	ssyncset.done $0x0  }
0x3d: {  	[sflag:s13] =	ssyncadd.s32 $0xFFFFC000  }
0x3e: {  	[hbm4b:s15+s2] =	stream.linear.scatter [tilespmem:s8], [sflag:$0x4], $0x4000, $0x38;
	[tilespmem:$0x8200] =	vst v63  }
0x3f: {  	_ =	swait.ge [sflag:s14], $0x4000  }
0x40: {  	[sflag:s14] =	ssyncset.done $0x0  }
0x41: {  	[sflag:s14] =	ssyncadd.s32 $0xFFFFC000  }
0x42: {  	[tilespmem:s8], [sflag:$0x2] =	stream.indirect.gather [hbm4b:s5+s6], $0x80, s16, s6, $0xb8;
	[tilespmem:$0x8200] =	vst v63  }
0x43: {  	_ =	swait.ge [sflag:s9], $0x4000  }
0x44: {  	[sflag:s9] =	ssyncset.done $0x0  }
0x45: {  	[sflag:s9] =	ssyncadd.s32 $0xFFFFC000  }
0x46: {  	[hbm4b:s17+s2] =	stream.linear.scatter [tilespmem:s7], [sflag:$0x3], $0x4000, $0x38;
	[tilespmem:$0x8200] =	vst v63  }
0x47: {  	_ =	swait.ge [sflag:s13], $0x4000  }
0x48: {  	[sflag:s13] =	ssyncset.done $0x0  }
0x49: {  	[sflag:s13] =	ssyncadd.s32 $0xFFFFC000  }
0x4a: {  	[hbm4b:s18+s2] =	stream.linear.scatter [tilespmem:s8], [sflag:$0x4], $0x4000, $0x38;
	[tilespmem:$0x8200] =	vst v63  }
.Ltmp1:
0x4b: {  	_ =	swait.ge [sflag:s11], $0x4000;
	(pc) =	sbr.rel @p0 .LBB2_1-.Ltmp1, $4  }
0x4c: {  	[sflag:s11] =	ssyncset.done $0x0  }
0x4d: {  	[sflag:s11] =	ssyncadd.s32 $0xFFFFC000  }
0x4e: {  	_ =	swait.ge [sflag:s14], $0x4000  }
0x4f: {  	[sflag:s14] =	ssyncset.done $0x0  }
.LBB2_2:
0x50: {  	[sflag:s14] =	ssyncadd.s32 $0xFFFFC000  }
0x51: {  	_ =	sfence.sel $0x180000  }
0x52: {  	[bflag:$0x0] =	sbarrier.arrive $0xFFFF  }
0x53: {  	p0 =	sne.s32 s0, $0x0;
	_ =	strace $0x90000047  }
0x54: {  	s0 =	sadd.s32 @!p0 $0x100000, s1;
	[bflag:$0x2] =	sbarrier.arrive $0xFFFF  }
0x55: {  	[sflag:s0] =	ssyncadd.tile.s32 @!p0 $0x1;
	_ =	shalt  }
.Lfunc_end2:
_tile_overlayer_lowered:
.L_overlay_start_2:
0x56: {  	(tag) =	ssettag $0x2  }
0x57: {  	s0 =	rddreg [dreg:$0x0];
	s2 =	stileid.u32  }
0x58: {  	s1 =	rddreg [dreg:$0x1];
	p0 =	sne.s32 s2, $0x0  }
0x59: {  	s3 =	rddreg [dreg:$0x2];
	[bflag:$0x3] =	sbarrier.arrive $0xFFFF;
	s2 =	simm.s32 @!p0 $0x1C05  }
0x5a: {  	[timem:s3], [sflag:s2] =	dma.local @!p0 [hbm:s0], s1  }
0x5b: {  	s0 =	simm.s32 @!p0 $0x5  }
0x5c: {  	_ =	swait.ge @!p0 [sflag:s0], s1  }
0x5d: {  	s1 =	ssub.s32 @!p0 $0x0, s1;
	[sflag:s0] =	ssyncset.done @!p0 $0x0  }
0x5e: {  	[sflag:s0] =	ssyncadd.s32 @!p0 s1  }
0x5f: {  	[bflag:$0x3] =	sbarrier.arrive $0xFFFF  }
0x60: {  	_ =	shalt  }

// kernel: kernel.7.cloned.1.call-start
scs
__scs_entry_jumppad:
0x0: {  	(pc) =	sbr.rel $0x88, $3  }
0x1: {  	(tag) =	ssettag $0x0;
	lr =	simm.s32 $0x1  }
0x2: {  	[smem:$0x3F95] =	sst lr;
	_ =	strace $0xD0000000  }
0x3: {  	_ = 	snop  }
0x4: {  	_ = 	snop  }
0x5: {  	_ = 	snop  }
0x6: {  	_ = 	snop  }
0x7: {  	_ = 	snop  }
__scs_overlays_trampoline_lowered:
0x8: {  	[smem:$0x3FA4] =	sst s0  }
0x9: {  	[smem:$0x3FA5] =	sst s1  }
0xa: {  	[smem:$0x3FA6] =	sst s2  }
0xb: {  	[smem:$0x3FA7] =	sst s3  }
0xc: {  	[smem:$0x3FA8] =	sst s4  }
0xd: {  	[smem:$0x3FA9] =	sst s5  }
0xe: {  	[smem:$0x3FAA] =	sst s6  }
0xf: {  	[smem:$0x3FAB] =	sst s7  }
0x10: {  	[smem:$0x3FAC] =	sst s8  }
0x11: {  	[smem:$0x3FAD] =	sst s9;
	s0 =	simm.s32 @!p0 $0x0  }
0x12: {  	s1 =	sld [smem:$0x3F93];
	s0 =	simm.s32 @p0 $0x1  }
0x13: {  	[smem:$0x3FAE] =	sst s0;
	s0 =	simm.s32 @!p1 $0x0  }
0x14: {  	s2 =	sld [smem:$0x3F92];
	s0 =	simm.s32 @p1 $0x1  }
0x15: {  	[smem:$0x3FAF] =	sst s0;
	s0 =	simm.s32 @!p2 $0x0  }
0x16: {  	s3 =	sld [smem:$0x3FDB];
	s0 =	simm.s32 @p2 $0x1  }
0x17: {  	s4 =	simm.s32 $0x1BF5;
	[smem:$0x3FB1] =	sst s0  }
0x18: {  	s0 =	sld [smem:$0x3F94];
	_ =	swait.ge [sflag:s4], $0x0  }
0x19: {  	s7 =	sld [smem:$0x3F95]  }
0x1a: {  	s8 =	sadd.s32 $0xFFFFE003, lr  }
0x1b: {  	s9 =	sadd.s32 $0xFFFFFEF7, lr;
	s5 =	simm.s32 $0xFFFFFFFF;
	p2 =	slt.u32 s8, $0xFFFFF086  }
0x1c: {  	p1 =	slt.u32 s9, $0xF7A;
	s5 =	simm.s32 @!p2 $0x0  }
0x1d: {  	s5 =	simm.s32 @p1 $0x1;
	p0 =	seq.s32 s7, s2  }
0x1e: {  	s7 =	smul.u32 @!p0 $0xF7A, s2;
	p2 =	seq.s32 @!p0 s5, $0x0  }
0x1f: {  	s9 =	smul.u32 $0xF7A, s1;
	s8 =	simm.s32 @!p0 $0x1BF5;
	p2 =	por !p2, p0  }
0x20: {  	[sflag:s8] =	ssyncset.s32 @!p0 $0xFFFFF086;
	s6 =	sadd.s32 @!p0 s3, s7;
	s7 =	simm.s32 @!p0 $0x108  }
0x21: {  	s3 =	sadd.s32 s3, s9;
	s6 =	sadd.s32 @!p0 $0x88, s6;
	s7 =	simm.s32 @p2 $0x1082  }
0x22: {  	[simem:s7], [sflag:s8] =	dma.local @!p0 [hbm:s6], $0xF7A  }
0x23: {  	s9 =	sor.u32 $0xD0000000, s2;
	s6 =	simm.s32 $0x108;
	_ =	swait.ge @!p0 [sflag:s8], $0x0  }
0x24: {  	s3 =	sadd.s32 $0x88, s3;
	s6 =	simm.s32 @!p1 $0x1082;
	[sflag:s4] =	ssyncset.s32 $0xFFFFF086  }
0x25: {  	[simem:s6], [sflag:s4] =	dma.local [hbm:s3], $0xF7A  }
0x26: {  	[smem:$0x3F95] =	sst s1;
	(tag) =	ssettag s2;
	_ =	strace s9  }
0x27: {  	s1 =	sld [smem:$0x3FA5]  }
0x28: {  	s2 =	sld [smem:$0x3FA6]  }
0x29: {  	s4 =	sld [smem:$0x3FA8]  }
0x2a: {  	p0 =	seq.s32 s5, $0x0;
	s5 =	sld [smem:$0x3FA9]  }
0x2b: {  	s6 =	sld [smem:$0x3FAA]  }
0x2c: {  	s7 =	sld [smem:$0x3FAB]  }
0x2d: {  	s3 =	simm.s32 $0x108;
	s8 =	sld [smem:$0x3FAC]  }
0x2e: {  	s3 =	simm.s32 @!p0 $0x1082;
	s9 =	sld [smem:$0x3FAD]  }
0x2f: {  	lr =	sadd.s32 s0, s3;
	s0 =	sld [smem:$0x3FA4]  }
0x30: {  	s3 =	sld [smem:$0x3FA7]  }
0x31: {  	[smem:$0x3FB0] =	sst s10  }
0x32: {  	s10 =	sld [smem:$0x3FAE];
	_ =	sdelay $0x3  }
0x33: {  	p0 =	seq.s32 s10, $0x1;
	s10 =	sld [smem:$0x3FB0];
	_ =	sdelay $0x3  }
0x34: {  	[smem:$0x3FB0] =	sst s10  }
0x35: {  	s10 =	sld [smem:$0x3FAF];
	_ =	sdelay $0x3  }
0x36: {  	p1 =	seq.s32 s10, $0x1;
	s10 =	sld [smem:$0x3FB0];
	_ =	sdelay $0x3  }
0x37: {  	[smem:$0x3FB0] =	sst s10  }
0x38: {  	s10 =	sld [smem:$0x3FB1]  }
0x39: {  	_ = 	snop;
	(pc) =	sbr.ind lr, $3  }
0x3a: {  	_ = 	snop  }
0x3b: {  	_ = 	snop  }
0x3c: {  	p2 =	seq.s32 s10, $0x1;
	s10 =	sld [smem:$0x3FB0]  }
0x3d: {  	_ =	shalt  }
0x3e: {  	_ =	shalt  }
0x3f: {  	_ =	shalt  }
0x40: {  	_ =	shalt  }
0x41: {  	_ =	shalt  }
0x42: {  	_ =	shalt  }
0x43: {  	_ =	shalt  }
0x44: {  	_ =	shalt  }
0x45: {  	_ =	shalt  }
0x46: {  	_ =	shalt  }
0x47: {  	_ =	shalt  }
0x48: {  	_ =	shalt  }
0x49: {  	_ =	shalt  }
0x4a: {  	_ =	shalt  }
0x4b: {  	_ =	shalt  }
0x4c: {  	_ =	shalt  }
0x4d: {  	_ =	shalt  }
0x4e: {  	_ =	shalt  }
0x4f: {  	_ =	shalt  }
0x50: {  	_ =	shalt  }
0x51: {  	_ =	shalt  }
0x52: {  	_ =	shalt  }
0x53: {  	_ =	shalt  }
0x54: {  	_ =	shalt  }
0x55: {  	_ =	shalt  }
0x56: {  	_ =	shalt  }
0x57: {  	_ =	shalt  }
0x58: {  	_ =	shalt  }
0x59: {  	_ =	shalt  }
0x5a: {  	_ =	shalt  }
0x5b: {  	_ =	shalt  }
0x5c: {  	_ =	shalt  }
0x5d: {  	_ =	shalt  }
0x5e: {  	_ =	shalt  }
0x5f: {  	_ =	shalt  }
0x60: {  	_ =	shalt  }
0x61: {  	_ =	shalt  }
0x62: {  	_ =	shalt  }
0x63: {  	_ =	shalt  }
0x64: {  	_ =	shalt  }
0x65: {  	_ =	shalt  }
0x66: {  	_ =	shalt  }
0x67: {  	_ =	shalt  }
0x68: {  	_ =	shalt  }
0x69: {  	_ =	shalt  }
0x6a: {  	_ =	shalt  }
0x6b: {  	_ =	shalt  }
0x6c: {  	_ =	shalt  }
0x6d: {  	_ =	shalt  }
0x6e: {  	_ =	shalt  }
0x6f: {  	_ =	shalt  }
0x70: {  	_ =	shalt  }
0x71: {  	_ =	shalt  }
0x72: {  	_ =	shalt  }
0x73: {  	_ =	shalt  }
0x74: {  	_ =	shalt  }
0x75: {  	_ =	shalt  }
0x76: {  	_ =	shalt  }
0x77: {  	_ =	shalt  }
0x78: {  	_ =	shalt  }
0x79: {  	_ =	shalt  }
0x7a: {  	_ =	shalt  }
0x7b: {  	_ =	shalt  }
0x7c: {  	_ =	shalt  }
0x7d: {  	_ =	shalt  }
0x7e: {  	_ =	shalt  }
0x7f: {  	_ =	shalt  }
0x80: {  	_ =	shalt  }
0x81: {  	_ =	shalt  }
0x82: {  	_ =	shalt  }
0x83: {  	_ =	shalt  }
0x84: {  	_ =	shalt  }
0x85: {  	_ =	shalt  }
0x86: {  	_ =	shalt  }
0x87: {  	_ =	shalt  }
.Lfunc_end0:
.L_simem_size_0:
called_computation_lowered:
.L_overlay_start_0:
0x88: {  	s2 =	sld [smem:$0x3FD9]  }
0x89: {  	s3 =	sld [smem:$0x3FFE];
	_ =	sdelay $0x1  }
0x8a: {  	s1 =	srdreg.scid  }
0x8b: {  	s0 =	sand.u32 $0x1, s1  }
0x8c: {  	s17 =	sshll.u32 s0, $0xA;
	s2 =	sadd.s32 s3, s2  }
0x8d: {  	s2 =	sadd.s32 s2, s17  }
0x8e: {  	[smem:$0x3FBC] =	sst s2  }
0x8f: {  	_ = 	snop  }
0x90: {  	(tm) =	ssettm $0x1  }
0x91: {  	s18 =	sld [smem:$0x3FFB];
	_ =	sdelay $0x3  }
0x92: {  	_ =	strace s18  }
0x93: {  	s2 =	sld [smem:$0x3FFC];
	_ =	sdelay $0x3  }
0x94: {  	_ =	strace s2  }
0x95: {  	s2 =	sld [smem:$0x3FFD];
	_ =	sdelay $0x3  }
0x96: {  	_ =	strace s2  }
0x97: {  	_ =	strace $0x8FFFFFFF  }
0x98: {  	s19 =	sld [smem:$0x3FDB];
	_ =	sdelay $0x1  }
0x99: {  	s20 =	simm.s32 $_scs_section_size  }
0x9a: {  	s4 =	simm.s32 $_size__tile_overlayer_lowered;
	s5 =	simm.s32 $_tile_overlayer_lowered  }
0x9b: {  	s6 =	simm.s32 $0x1BFF;
	s21 =	sshll.u32 s5, $0x1;
	s3 =	sadd.s32 s20, s19  }
0x9c: {  	s22 =	simm.s32 $0x0;
	s4 =	sshll.u32 s4, $0x1;
	s5 =	sadd.s32 s21, s3  }
0x9d: {  	[timem:s22], [sflag:s6] =	dma.local [hbm:s5], s4  }
0x9e: {  	_ =	swait.ge [sflag:s6], s4  }
0x9f: {  	s4 =	ssub.s32 $0x0, s4;
	[sflag:s6] =	ssyncset.done $0x0  }
0xa0: {  	[sflag:s6] =	ssyncadd.s32 s4;
	_ =	sdelay $0x1  }
0xa1: {  	s23 =	simm.s32 $0x1B8B  }
0xa2: {  	_ =	swait.ge [sflag:s23], $0x1  }
0xa3: {  	[sflag:s23] =	ssyncset.done $0x0  }
0xa4: {  	[sflag:s23] =	ssyncadd.s32 $0xFFFFFFFF  }
0xa5: {  	s4 =	sld [smem:$0x0]  }
0xa6: {  	s5 =	sand.u32 $0xFFFFFFFE, s1  }
0xa7: {  	p0 =	sne.s32 s1, s5  }
0xa8: {  	s5 =	sshll.u32 @p0 s5, $0xE  }
0xa9: {  	s5 =	sadd.s32 @p0 $0x11B8D, s5;
	s6 =	sshll.u32 @p0 s4, $0x11  }
0xaa: {  	s5 =	sor.u32 @p0 s6, s5  }
0xab: {  	[sflag:s5] =	ssyncadd.remote.s32 @p0 $0x1;
	_ =	sdelay $0x1  }
0xac: {  	s5 =	simm.s32 @p0 $0x1B8D  }
0xad: {  	_ =	swait.eq @p0 [sflag:s5], $0x1  }
0xae: {  	[sflag:s5] =	ssyncadd.s32 @p0 $0xFFFFFFFF  }
0xaf: {  	s6 =	sshll.u32 @!p0 s1, $0xE  }
0xb0: {  	s6 =	sor.u32 @!p0 $0x4000, s6;
	s5 =	simm.s32 @!p0 $0x1B8D  }
0xb1: {  	s4 =	sshll.u32 @!p0 s4, $0x11;
	s6 =	sadd.s32 @!p0 $0x11B8D, s6;
	_ =	swait.eq @!p0 [sflag:s5], $0x1  }
0xb2: {  	s4 =	sor.u32 @!p0 s4, s6;
	[sflag:s5] =	ssyncadd.s32 @!p0 $0xFFFFFFFF  }
0xb3: {  	s25 =	simm.s32 $0x1B8E;
	s24 =	sld [smem:$0x3FFE];
	[sflag:s4] =	ssyncadd.remote.s32 @!p0 $0x1  }
0xb4: {  	s26 =	simm.s32 $execute0_lowered;
	[smem:$0x3FD2] =	sst s25  }
0xb5: {  	s5 =	sshll.u32 s26, $0x1;
	_ =	strace $0x80000049;
	[dreg:$0x1] =	wrdreg $0xFFFFFFFF  }
0xb6: {  	s28 =	simm.s32 $_size_execute0_lowered;
	s3 =	sadd.s32 s3, s5;
	[dreg:$0x0] =	wrdreg $0x0  }
0xb7: {  	s5 =	sshll.u32 s28, $0x1;
	[dreg:$0x2] =	wrdreg s3  }
0xb8: {  	[dreg:$0x3] =	wrdreg s5  }
0xb9: {  	[dreg:$0x4] =	wrdreg $0xC0  }
0xba: {  	_ =	task [dreg:s22], $0x5FFFF  }
0xbb: {  	[dreg:$0x1] =	wrdreg $0xFFFFFFFF  }
0xbc: {  	[dreg:$0x0] =	wrdreg $0x60  }
0xbd: {  	[dreg:$0x2] =	wrdreg s24  }
0xbe: {  	[dreg:$0x3] =	wrdreg $0x9  }
0xbf: {  	_ =	task.clear_ibuf [dreg:s22], $0x4FFFF;
	_ =	strace $0x90000049  }
0xc0: {  	s29 =	simm.s32 $0x9;
	_ =	strace $0x8000004B  }
0xc1: {  	_ =	swait.ge [sflag:s29], $0x1  }
0xc2: {  	[sflag:s29] =	ssyncadd.s32 $0xFFFFFFFF  }
0xc3: {  	_ =	strace $0x9000004B  }
0xc4: {  	_ =	sfence  }
0xc5: {  	s30 =	sld [smem:$0x0];
	_ =	sdelay $0x2  }
0xc6: {  	s31 =	sshll.u32 s1, $0xD;
	s1 =	sshrl.u32 s1, $0x2  }
0xc7: {  	s4 =	sand.u32 $0x4000, s31;
	s1 =	sadd.s32 s1, s30  }
0xc8: {  	s0 =	sor.u32 s4, s0;
	s1 =	sshll.u32 s1, $0x11  }
0xc9: {  	s0 =	sor.u32 s1, s0  }
0xca: {  	s0 =	sadd.s32 $0x8F2B, s0  }
0xcb: {  	[sflag:s0] =	ssyncadd.remote.s32 $0x1  }
0xcc: {  	_ =	sfence.sel $0xFFFF  }
0xcd: {  	[dreg:$0x0] =	wrdreg $0xFFFFFFFF;
	(pc) =	sbr.abs _section_cstart, $3  }
0xce: {  	[dreg:$0x1] =	wrdreg $0xFFFFFFFF  }
0xcf: {  	_ =	task.clear_ibuf [dreg:s22], $0x2FFFF;
	_ =	strace $0x9FFFFFFF  }
0xd0: {  	(tm) =	ssettm $0x7FFFFFFF  }
0xd1: {  	_ =	shalt  }
tec
execute0_lowered:
.L_overlay_start_1:
0x0: {  	(tag) =	ssettag $0x1  }
0x1: {  	s1 =	srdreg.scid  }
0x2: {  	s0 =	stileid.u32;
	s18 =	sand.u32 $0x1, s1  }
0x3: {  	s30 =	sshll.u32 s0, $0xA;
	s2 =	sshll.u32 s18, $0x9  }
0x4: {  	s11 =	sor.u32 s2, s30  }
0x5: {  	s10 =	rddreg [dreg:$0x0];
	s2 =	simm.s32 $0x0;
	s3 =	sshrl.u32 s11, $0x3  }
0x6: {  	s4 =	simm.s32 $0x5;
	[smem:$0x7FF] =	sst s2;
	s3 =	sadd.s32 s3, s10  }
0x7: {  	s1 =	rddreg [dreg:$0x1];
	_ =	strace $0x8000004A;
	s3 =	sadd.s32 $0x1C00, s3  }
0x8: {  	[tilespmem:s2], [sflag:$0x5] =	stream.linear.gather [hbm4b:s3+s2], $0x200, $0x38;
	[tilespmem:$0x8200] =	vst v63  }
0x9: {  	_ =	swait.ge [sflag:s4], $0x200  }
0xa: {  	s6 =	simm.s32 $0x80;
	[sflag:s4] =	ssyncset.done $0x0  }
0xb: {  	s7 =	simm.s32 $0x200;
	s5 =	sadd.s32 $0x106400, s10;
	[sflag:s4] =	ssyncadd.s32 $0xFFFFFE00  }
0xc: {  	[tilespmem:s7], [sflag:$0x1] =	stream.indirect.gather [hbm4b:s5+s6], $0x80, s2, s6, $0xb8;
	[tilespmem:$0x8200] =	vst v63  }
0xd: {  	s8 =	simm.s32 $0x4200;
	s9 =	simm.s32 $0x1  }
0xe: {  	[tilespmem:s8], [sflag:$0x2] =	stream.indirect.gather [hbm4b:s5+s6], $0x80, s6, s6, $0xb8;
	[tilespmem:$0x8200] =	vst v63  }
0xf: {  	s11 =	sshll.u32 s11, $0x4;
	_ =	swait.ge [sflag:s9], $0x4000  }
0x10: {  	s19 =	sadd.s32 s11, s10;
	[sflag:s9] =	ssyncset.done $0x0  }
0x11: {  	s11 =	simm.s32 $0x3;
	s10 =	sadd.s32 $0x1CA400, s19;
	[sflag:s9] =	ssyncadd.s32 $0xFFFFC000  }
0x12: {  	[hbm4b:s10+s2] =	stream.linear.scatter [tilespmem:s7], [sflag:$0x3], $0x4000, $0x38;
	[tilespmem:$0x8200] =	vst v63  }
0x13: {  	_ =	swait.ge [sflag:s11], $0x4000  }
0x14: {  	[sflag:s11] =	ssyncset.done $0x0  }
0x15: {  	s12 =	simm.s32 $0x100;
	s13 =	simm.s32 $0x2;
	[sflag:s11] =	ssyncadd.s32 $0xFFFFC000  }
0x16: {  	[tilespmem:s7], [sflag:$0x1] =	stream.indirect.gather [hbm4b:s5+s6], $0x80, s12, s6, $0xb8;
	[tilespmem:$0x8200] =	vst v63  }
0x17: {  	_ =	swait.ge [sflag:s13], $0x4000  }
0x18: {  	[sflag:s13] =	ssyncset.done $0x0  }
0x19: {  	s14 =	simm.s32 $0x4;
	s15 =	sadd.s32 $0x1CAC00, s19;
	[sflag:s13] =	ssyncadd.s32 $0xFFFFC000  }
0x1a: {  	[hbm4b:s15+s2] =	stream.linear.scatter [tilespmem:s8], [sflag:$0x4], $0x4000, $0x38;
	[tilespmem:$0x8200] =	vst v63  }
0x1b: {  	_ =	swait.ge [sflag:s14], $0x4000  }
0x1c: {  	[sflag:s14] =	ssyncset.done $0x0  }
0x1d: {  	s16 =	simm.s32 $0x180;
	[sflag:s14] =	ssyncadd.s32 $0xFFFFC000  }
0x1e: {  	[tilespmem:s8], [sflag:$0x2] =	stream.indirect.gather [hbm4b:s5+s6], $0x80, s16, s6, $0xb8;
	[tilespmem:$0x8200] =	vst v63  }
0x1f: {  	_ =	swait.ge [sflag:s9], $0x4000  }
0x20: {  	s20 =	ssub.s32 $0x2, s18;
	[sflag:s9] =	ssyncset.done $0x0  }
0x21: {  	s31 =	sshrl.u32 s20, $0x1;
	s17 =	sadd.s32 $0x1CB400, s19;
	[sflag:s9] =	ssyncadd.s32 $0xFFFFC000  }
0x22: {  	[hbm4b:s17+s2] =	stream.linear.scatter [tilespmem:s7], [sflag:$0x3], $0x4000, $0x38;
	[tilespmem:$0x8200] =	vst v63  }
0x23: {  	s18 =	sadd.s32 $0x1CBC00, s19;
	s19 =	ssub.s32 s20, s31;
	_ =	swait.ge [sflag:s13], $0x4000  }
0x24: {  	s19 =	smax.u32 s19, $0x1;
	[sflag:s13] =	ssyncset.done $0x0  }
0x25: {  	p0 =	sne.s32 s19, $0x1;
	[sflag:s13] =	ssyncadd.s32 $0xFFFFC000  }
0x26: {  	[hbm4b:s18+s2] =	stream.linear.scatter [tilespmem:s8], [sflag:$0x4], $0x4000, $0x38;
	[tilespmem:$0x8200] =	vst v63  }
.Ltmp0:
0x27: {  	_ =	swait.ge [sflag:s11], $0x4000;
	(pc) =	sbr.rel @!p0 .LBB2_2-.Ltmp0, $4  }
0x28: {  	[sflag:s11] =	ssyncset.done $0x0  }
0x29: {  	[sflag:s11] =	ssyncadd.s32 $0xFFFFC000  }
0x2a: {  	_ =	swait.ge [sflag:s14], $0x4000  }
0x2b: {  	s19 =	sadd.s32 $0xFFFFFFFF, s19;
	[sflag:s14] =	ssyncset.done $0x0  }
.LBB2_1:
0x2c: {  	p0 =	sne.s32 s19, $0x1;
	s19 =	sadd.s32 $0xFFFFFFFF, s19;
	[sflag:s14] =	ssyncadd.s32 $0xFFFFC000  }
0x2d: {  	[tilespmem:s2], [sflag:$0x5] =	stream.linear.gather [hbm4b:s3+s2], $0x200, $0x38;
	[tilespmem:$0x8200] =	vst v63  }
0x2e: {  	_ =	swait.ge [sflag:s4], $0x200  }
0x2f: {  	[sflag:s4] =	ssyncset.done $0x0  }
0x30: {  	[sflag:s4] =	ssyncadd.s32 $0xFFFFFE00  }
0x31: {  	[tilespmem:s7], [sflag:$0x1] =	stream.indirect.gather [hbm4b:s5+s6], $0x80, s2, s6, $0xb8;
	[tilespmem:$0x8200] =	vst v63  }
0x32: {  	_ = 	snop  }
0x33: {  	[tilespmem:s8], [sflag:$0x2] =	stream.indirect.gather [hbm4b:s5+s6], $0x80, s6, s6, $0xb8;
	[tilespmem:$0x8200] =	vst v63  }
0x34: {  	_ =	swait.ge [sflag:s9], $0x4000  }
0x35: {  	[sflag:s9] =	ssyncset.done $0x0  }
0x36: {  	[sflag:s9] =	ssyncadd.s32 $0xFFFFC000  }
0x37: {  	[hbm4b:s10+s2] =	stream.linear.scatter [tilespmem:s7], [sflag:$0x3], $0x4000, $0x38;
	[tilespmem:$0x8200] =	vst v63  }
0x38: {  	_ =	swait.ge [sflag:s11], $0x4000  }
0x39: {  	[sflag:s11] =	ssyncset.done $0x0  }
0x3a: {  	[sflag:s11] =	ssyncadd.s32 $0xFFFFC000  }
0x3b: {  	[tilespmem:s7], [sflag:$0x1] =	stream.indirect.gather [hbm4b:s5+s6], $0x80, s12, s6, $0xb8;
	[tilespmem:$0x8200] =	vst v63  }
0x3c: {  	_ =	swait.ge [sflag:s13], $0x4000  }
0x3d: {  	[sflag:s13] =	ssyncset.done $0x0  }
0x3e: {  	[sflag:s13] =	ssyncadd.s32 $0xFFFFC000  }
0x3f: {  	[hbm4b:s15+s2] =	stream.linear.scatter [tilespmem:s8], [sflag:$0x4], $0x4000, $0x38;
	[tilespmem:$0x8200] =	vst v63  }
0x40: {  	_ =	swait.ge [sflag:s14], $0x4000  }
0x41: {  	[sflag:s14] =	ssyncset.done $0x0  }
0x42: {  	[sflag:s14] =	ssyncadd.s32 $0xFFFFC000  }
0x43: {  	[tilespmem:s8], [sflag:$0x2] =	stream.indirect.gather [hbm4b:s5+s6], $0x80, s16, s6, $0xb8;
	[tilespmem:$0x8200] =	vst v63  }
0x44: {  	_ =	swait.ge [sflag:s9], $0x4000  }
0x45: {  	[sflag:s9] =	ssyncset.done $0x0  }
0x46: {  	[sflag:s9] =	ssyncadd.s32 $0xFFFFC000  }
0x47: {  	[hbm4b:s17+s2] =	stream.linear.scatter [tilespmem:s7], [sflag:$0x3], $0x4000, $0x38;
	[tilespmem:$0x8200] =	vst v63  }
0x48: {  	_ =	swait.ge [sflag:s13], $0x4000  }
0x49: {  	[sflag:s13] =	ssyncset.done $0x0  }
0x4a: {  	[sflag:s13] =	ssyncadd.s32 $0xFFFFC000  }
0x4b: {  	[hbm4b:s18+s2] =	stream.linear.scatter [tilespmem:s8], [sflag:$0x4], $0x4000, $0x38;
	[tilespmem:$0x8200] =	vst v63  }
.Ltmp1:
0x4c: {  	_ =	swait.ge [sflag:s11], $0x4000;
	(pc) =	sbr.rel @p0 .LBB2_1-.Ltmp1, $4  }
0x4d: {  	[sflag:s11] =	ssyncset.done $0x0  }
0x4e: {  	[sflag:s11] =	ssyncadd.s32 $0xFFFFC000  }
0x4f: {  	_ =	swait.ge [sflag:s14], $0x4000  }
0x50: {  	[sflag:s14] =	ssyncset.done $0x0  }
.LBB2_2:
0x51: {  	[sflag:s14] =	ssyncadd.s32 $0xFFFFC000  }
0x52: {  	_ =	sfence.sel $0x180000  }
0x53: {  	[bflag:$0x0] =	sbarrier.arrive $0xFFFF  }
0x54: {  	p0 =	sne.s32 s0, $0x0;
	_ =	strace $0x9000004A  }
0x55: {  	s0 =	sadd.s32 @!p0 $0x100000, s1;
	[bflag:$0x2] =	sbarrier.arrive $0xFFFF  }
0x56: {  	[sflag:s0] =	ssyncadd.tile.s32 @!p0 $0x1;
	_ =	shalt  }
.Lfunc_end2:
_tile_overlayer_lowered:
.L_overlay_start_2:
0x57: {  	(tag) =	ssettag $0x2  }
0x58: {  	s0 =	rddreg [dreg:$0x0];
	s2 =	stileid.u32  }
0x59: {  	s1 =	rddreg [dreg:$0x1];
	p0 =	sne.s32 s2, $0x0  }
0x5a: {  	s3 =	rddreg [dreg:$0x2];
	[bflag:$0x3] =	sbarrier.arrive $0xFFFF;
	s2 =	simm.s32 @!p0 $0x1C05  }
0x5b: {  	[timem:s3], [sflag:s2] =	dma.local @!p0 [hbm:s0], s1  }
0x5c: {  	s0 =	simm.s32 @!p0 $0x5  }
0x5d: {  	_ =	swait.ge @!p0 [sflag:s0], s1  }
0x5e: {  	s1 =	ssub.s32 @!p0 $0x0, s1;
	[sflag:s0] =	ssyncset.done @!p0 $0x0  }
0x5f: {  	[sflag:s0] =	ssyncadd.s32 @!p0 s1  }
0x60: {  	[bflag:$0x3] =	sbarrier.arrive $0xFFFF  }
0x61: {  	_ =	shalt  }

</sc_bundles>
